<compile_context>
chip_gen: v7x
topology: tpu7x:2x2x1
jax: 0.10.2.dev20260603
libtpu: 0.0.44.dev20260713+nightly
codegen_flags: <defaults>
</compile_context>

<pallas_src>
import functools

import jax
import jax.numpy as jnp
from jax import lax
from jax.experimental import pallas as pl
from jax.experimental.pallas import tpu as pltpu
from jax.experimental.pallas import tpu_sc as plsc

N_NODES = 10000
N_EDGES = 320000
D = 128

NC = 2
NS = 16
NW = NC * NS
CHUNK = 128
NCHUNKS_TOT = N_EDGES // CHUNK
NFULL = 78
NEXTRA = NCHUNKS_TOT - NW * NFULL
N_ACC = 10240
ROWS_PER_TILE = N_ACC // NS



def _mm_body(x_ref, w_ref, n_ref, h_ref):
    h_ref[...] = jnp.dot(x_ref[...], w_ref[...],
                         preferred_element_type=jnp.float32) * n_ref[...]


def _matmul_norm(x, W, norm):
    M_BLK = 1000
    return pl.pallas_call(
        _mm_body,
        grid=(N_NODES // M_BLK,),
        in_specs=[
            pl.BlockSpec((M_BLK, D), lambda i: (i, 0)),
            pl.BlockSpec((D, D), lambda i: (0, 0)),
            pl.BlockSpec((M_BLK, 1), lambda i: (i, 0)),
        ],
        out_specs=pl.BlockSpec((M_BLK, D), lambda i: (i, 0)),
        out_shape=jax.ShapeDtypeStruct((N_NODES, D), jnp.float32),
    )(x, W, norm.reshape(N_NODES, 1))



_MESH = plsc.VectorSubcoreMesh(core_axis_name="c", subcore_axis_name="s")


@functools.partial(
    pl.kernel,
    out_type=jax.ShapeDtypeStruct((NC, N_ACC, D), jnp.float32),
    mesh=_MESH,
    scratch_types=[
        pltpu.VMEM_SHARED((N_ACC, D), jnp.float32),
        pltpu.VMEM((CHUNK,), jnp.int32),
        pltpu.VMEM((CHUNK,), jnp.int32),
        pltpu.VMEM((CHUNK,), jnp.int32),
        pltpu.VMEM((CHUNK,), jnp.int32),
        pltpu.VMEM((CHUNK, D), jnp.float32),
        pltpu.VMEM((CHUNK, D), jnp.float32),
        pltpu.SemaphoreType.DMA,
        pltpu.SemaphoreType.DMA,
    ],
)
def _edge_scatter(h_hbm, ei_hbm, zero_hbm, out_hbm,
                  acc, src0, src1, dst0, dst1, rows0, rows1, sem0, sem1):
    cid = lax.axis_index("c")
    sid = lax.axis_index("s")
    wid = sid * NC + cid

    row0 = sid * ROWS_PER_TILE
    pltpu.sync_copy(zero_hbm.at[pl.ds(row0, ROWS_PER_TILE)],
                    acc.at[pl.ds(row0, ROWS_PER_TILE)])
    plsc.subcore_barrier()

    cbase = wid * NFULL
    src_2d = ei_hbm.at[0]
    dst_2d = ei_hbm.at[1]
    last_row = cbase + NFULL - 1

    pltpu.sync_copy(src_2d.at[cbase], src0)
    pltpu.sync_copy(dst_2d.at[cbase], dst0)
    pltpu.async_copy(h_hbm.at[src0], rows0, sem0)
    pltpu.sync_copy(src_2d.at[cbase + 1], src1)
    pltpu.sync_copy(dst_2d.at[cbase + 1], dst1)
    pltpu.async_copy(h_hbm.at[src1], rows1, sem1)

    def body(i, carry):
        j = 2 * i
        r0 = jnp.minimum(cbase + j + 2, last_row)
        r1 = jnp.minimum(cbase + j + 3, last_row)
        pltpu.make_async_copy(h_hbm.at[src0], rows0, sem0).wait()
        pltpu.sync_copy(rows0, acc.at[dst0], add=True)
        pltpu.sync_copy(src_2d.at[r0], src0)
        pltpu.sync_copy(dst_2d.at[r0], dst0)
        pltpu.async_copy(h_hbm.at[src0], rows0, sem0)
        pltpu.make_async_copy(h_hbm.at[src1], rows1, sem1).wait()
        pltpu.sync_copy(rows1, acc.at[dst1], add=True)
        pltpu.sync_copy(src_2d.at[r1], src1)
        pltpu.sync_copy(dst_2d.at[r1], dst1)
        pltpu.async_copy(h_hbm.at[src1], rows1, sem1)
        return carry

    lax.fori_loop(0, NFULL // 2, body, 0)
    pltpu.make_async_copy(h_hbm.at[src0], rows0, sem0).wait()
    pltpu.make_async_copy(h_hbm.at[src1], rows1, sem1).wait()

    @pl.when(wid < NEXTRA)
    def _():
        xrow = NW * NFULL + wid
        pltpu.sync_copy(src_2d.at[xrow], src0)
        pltpu.sync_copy(dst_2d.at[xrow], dst0)
        pltpu.async_copy(h_hbm.at[src0], rows0, sem0).wait()
        pltpu.sync_copy(rows0, acc.at[dst0], add=True)

    plsc.subcore_barrier()

    @pl.when(cid == 0)
    def _():
        pltpu.sync_copy(acc.at[pl.ds(row0, ROWS_PER_TILE)],
                        out_hbm.at[0].at[pl.ds(row0, ROWS_PER_TILE)])

    @pl.when(cid == 1)
    def _():
        pltpu.sync_copy(acc.at[pl.ds(row0, ROWS_PER_TILE)],
                        out_hbm.at[1].at[pl.ds(row0, ROWS_PER_TILE)])



def _post_body(p_ref, n_ref, b_ref, o_ref):
    s = p_ref[0] + p_ref[1]
    o_ref[...] = jnp.maximum(s * n_ref[...] + b_ref[...], 0.0)


def _postprocess(partials, norm, b):
    M_BLK = 1000
    return pl.pallas_call(
        _post_body,
        grid=(N_NODES // M_BLK,),
        in_specs=[
            pl.BlockSpec((NC, M_BLK, D), lambda i: (0, i, 0)),
            pl.BlockSpec((M_BLK, 1), lambda i: (i, 0)),
            pl.BlockSpec((1, D), lambda i: (0, 0)),
        ],
        out_specs=pl.BlockSpec((M_BLK, D), lambda i: (i, 0)),
        out_shape=jax.ShapeDtypeStruct((N_NODES, D), jnp.float32),
    )(partials, norm.reshape(N_NODES, 1), b.reshape(1, D))


def kernel(x, edge_index, norm, W, b):
    h = _matmul_norm(x, W, norm)
    ei = edge_index.astype(jnp.int32).reshape(2, NCHUNKS_TOT, CHUNK)
    zeros = jnp.zeros((N_ACC, D), dtype=jnp.float32)
    partials = _edge_scatter(h, ei, zeros)
    return _postprocess(partials, norm, b)

# --- scband reference (transcript-rebuilt; emitter-appended) ---
"""Pipeline reference for scband-gcnlayer-14087492731174 (READ-ONLY COPY).

The authoritative reference and input builder live on the scoring server;
editing this copy changes nothing except your own understanding.
"""

import jax, jax.numpy as jnp
import numpy as np

N_NODES = 10000
N_EDGES = 320000
D_IN = 128
D_OUT = 128


def setup_inputs(seed: int = 0) -> dict:
    key = jax.random.key(seed)
    k1, k2, k3, k4, k5 = jax.random.split(key, 5)
    x = jax.random.normal(k1, (N_NODES, D_IN), dtype=jnp.float32)
    edge_index = jax.random.randint(k2, (2, N_EDGES), 0, N_NODES, dtype=jnp.int64)
    norm = jax.random.uniform(k3, (N_NODES,), dtype=jnp.float32)
    stdv = 1.0 / np.sqrt(D_OUT)
    W = jax.random.uniform(k4, (D_IN, D_OUT), dtype=jnp.float32, minval=-stdv, maxval=stdv)
    b = jax.random.uniform(k5, (D_OUT,), dtype=jnp.float32, minval=-stdv, maxval=stdv)
    return {"x": x, "edge_index": edge_index, "norm": norm, "W": W, "b": b}


def reference(x, edge_index, norm, W, b):
    # h = x @ W
    h = jnp.dot(x, W)
    # symmetric normalization (pre-aggregation)
    h = h * norm[:, None]
    # message passing: copy_src + sum reduce (scatter-add over edges)
    src = edge_index[0]
    dst = edge_index[1]
    messages = jnp.take(h, src, axis=0)
    h = jax.ops.segment_sum(messages, dst, num_segments=N_NODES)
    # symmetric normalization (post-aggregation)
    h = h * norm[:, None]
    # bias + activation (dropout=0.0 -> identity)
    h = h + b
    h = jax.nn.relu(h)
    return h

if __name__ == "__main__":
    import jax
    _d = setup_inputs()
    print(jax.jit(kernel)(*tuple(_d.values())))

</pallas_src>

<mosaic_0001>
#map = affine_map<(d0, d1) -> (0, 0)>
#map1 = affine_map<(d0, d1) -> (0, 0, 0)>
module attributes {stable_mosaic.version = 14 : i64} {
  func.func @_edge_scatter(%arg0: i32, %arg1: i32, %arg2: memref<10000x128xf32, #tpu.memory_space<hbm>>, %arg3: memref<2x2500x128xi32, #tpu.memory_space<hbm>>, %arg4: memref<10240x128xf32, #tpu.memory_space<hbm>>, %arg5: memref<2x10240x128xf32, #tpu.memory_space<hbm>>, %arg6: memref<10240x128xf32, #tpu.memory_space<vmem_shared>>, %arg7: memref<128xi32, #tpu.memory_space<vmem>>, %arg8: memref<128xi32, #tpu.memory_space<vmem>>, %arg9: memref<128xi32, #tpu.memory_space<vmem>>, %arg10: memref<128xi32, #tpu.memory_space<vmem>>, %arg11: memref<128x128xf32, #tpu.memory_space<vmem>>, %arg12: memref<128x128xf32, #tpu.memory_space<vmem>>, %arg13: memref<!tpu.dma_semaphore, #tpu.memory_space<semaphore_mem>>, %arg14: memref<!tpu.dma_semaphore, #tpu.memory_space<semaphore_mem>>) attributes {dimension_semantics = [#tpu.dimension_semantics<core_parallel>, #tpu.dimension_semantics<subcore_parallel>], iteration_bounds = array<i64: 2, 16>, scalar_prefetch = 0 : i64, scratch_operands = 9 : i64, tpu.core_type = #tpu.core_type<sc_vector_subcore>, window_params = [{transform_indices = #map}, {transform_indices = #map1}, {transform_indices = #map}, {transform_indices = #map1}]} {
    %mul3A = arith.constant 2 : i32
    %mul3A_0 = arith.muli %arg1, %mul3A : i32
    %add3A = arith.addi %mul3A_0, %arg0 : i32
    %mul3A_1 = arith.constant 640 : i32
    %mul3A_2 = arith.muli %arg1, %mul3A_1 : i32
    "tpu.region"() ({
      %run_scoped3A_46 = tpu.sem_alloc : memref<!tpu.dma_semaphore, #tpu.memory_space<semaphore_mem>>
      %dma_start3A_47 = arith.constant 0 : i32
      %dma_start3A_48 = tpu.memref_slice %arg6[%mul3A_2, %dma_start3A_47] : memref<10240x128xf32, #tpu.memory_space<vmem_shared>> -> memref<640x128xf32, #tpu.memory_space<vmem_shared>>
      %dma_start3A_49 = arith.constant 0 : i32
      %dma_start3A_50 = tpu.memref_slice %arg4[%mul3A_2, %dma_start3A_49] : memref<10240x128xf32, #tpu.memory_space<hbm>> -> memref<640x128xf32, #tpu.memory_space<hbm>>
      tpu.enqueue_dma source(%dma_start3A_50 : memref<640x128xf32, #tpu.memory_space<hbm>>) target(%dma_start3A_48 : memref<640x128xf32, #tpu.memory_space<vmem_shared>>) target_semaphore(%run_scoped3A_46 : memref<!tpu.dma_semaphore, #tpu.memory_space<semaphore_mem>>)
      %dma_wait3A_51 = arith.constant 0 : i32
      %dma_wait3A_52 = tpu.memref_slice %arg6[%mul3A_2, %dma_wait3A_51] : memref<10240x128xf32, #tpu.memory_space<vmem_shared>> -> memref<640x128xf32, #tpu.memory_space<vmem_shared>>
      %dma_wait3A_53 = arith.constant 0 : i32
      %dma_wait3A_54 = tpu.memref_slice %arg4[%mul3A_2, %dma_wait3A_53] : memref<10240x128xf32, #tpu.memory_space<hbm>> -> memref<640x128xf32, #tpu.memory_space<hbm>>
      tpu.wait_dma2 semaphore(%run_scoped3A_46 : memref<!tpu.dma_semaphore, #tpu.memory_space<semaphore_mem>>) src(%dma_wait3A_54 : memref<640x128xf32, #tpu.memory_space<hbm>>) dst(%dma_wait3A_52 : memref<640x128xf32, #tpu.memory_space<vmem_shared>>)
      tpu.yield
    }) : () -> ()
    %barrier3A = arith.constant 0 : index
    tpu.barrier barrier_id(%barrier3A)
    %mul3A_3 = arith.constant 78 : i32
    %mul3A_4 = arith.muli %add3A, %mul3A_3 : i32
    %add3A_5 = arith.constant 78 : i32
    %add3A_6 = arith.addi %mul3A_4, %add3A_5 : i32
    %sub3A = arith.constant 1 : i32
    %sub3A_7 = arith.subi %add3A_6, %sub3A : i32
    %run_scoped3A = arith.constant 0 : i32
    "tpu.region"() ({
      %run_scoped3A_46 = tpu.sem_alloc : memref<!tpu.dma_semaphore, #tpu.memory_space<semaphore_mem>>
      %dma_start3A_47 = arith.constant 0 : i32
      %dma_start3A_48 = arith.constant 0 : i32
      %dma_start3A_49 = tpu.memref_slice %arg3[%run_scoped3A, %dma_start3A_47, %dma_start3A_48] : memref<2x2500x128xi32, #tpu.memory_space<hbm>> -> memref<1x2500x128xi32, #tpu.memory_space<hbm>>
      %dma_start3A_50 = tpu.memref_squeeze %dma_start3A_49 : memref<1x2500x128xi32, #tpu.memory_space<hbm>> -> memref<2500x128xi32, #tpu.memory_space<hbm>>
      %dma_start3A_51 = arith.constant 0 : i32
      %dma_start3A_52 = tpu.memref_slice %dma_start3A_50[%mul3A_4, %dma_start3A_51] : memref<2500x128xi32, #tpu.memory_space<hbm>> -> memref<1x128xi32, #tpu.memory_space<hbm>>
      %dma_start3A_53 = tpu.memref_squeeze %dma_start3A_52 : memref<1x128xi32, #tpu.memory_space<hbm>> -> memref<128xi32, #tpu.memory_space<hbm>>
      %dma_start3A_54 = arith.constant 0 : i32
      %dma_start3A_55 = arith.constant 0 : i32
      %dma_start3A_56 = tpu.memref_slice %arg3[%run_scoped3A, %dma_start3A_54, %dma_start3A_55] : memref<2x2500x128xi32, #tpu.memory_space<hbm>> -> memref<1x2500x128xi32, #tpu.memory_space<hbm>>
      %dma_start3A_57 = tpu.memref_squeeze %dma_start3A_56 : memref<1x2500x128xi32, #tpu.memory_space<hbm>> -> memref<2500x128xi32, #tpu.memory_space<hbm>>
      %dma_start3A_58 = arith.constant 0 : i32
      %dma_start3A_59 = tpu.memref_slice %dma_start3A_57[%mul3A_4, %dma_start3A_58] : memref<2500x128xi32, #tpu.memory_space<hbm>> -> memref<1x128xi32, #tpu.memory_space<hbm>>
      %dma_start3A_60 = tpu.memref_squeeze %dma_start3A_59 : memref<1x128xi32, #tpu.memory_space<hbm>> -> memref<128xi32, #tpu.memory_space<hbm>>
      tpu.enqueue_dma source(%dma_start3A_60 : memref<128xi32, #tpu.memory_space<hbm>>) target(%arg7 : memref<128xi32, #tpu.memory_space<vmem>>) target_semaphore(%run_scoped3A_46 : memref<!tpu.dma_semaphore, #tpu.memory_space<semaphore_mem>>)
      %dma_wait3A_61 = arith.constant 0 : i32
      %dma_wait3A_62 = arith.constant 0 : i32
      %dma_wait3A_63 = tpu.memref_slice %arg3[%run_scoped3A, %dma_wait3A_61, %dma_wait3A_62] : memref<2x2500x128xi32, #tpu.memory_space<hbm>> -> memref<1x2500x128xi32, #tpu.memory_space<hbm>>
      %dma_wait3A_64 = tpu.memref_squeeze %dma_wait3A_63 : memref<1x2500x128xi32, #tpu.memory_space<hbm>> -> memref<2500x128xi32, #tpu.memory_space<hbm>>
      %dma_wait3A_65 = arith.constant 0 : i32
      %dma_wait3A_66 = tpu.memref_slice %dma_wait3A_64[%mul3A_4, %dma_wait3A_65] : memref<2500x128xi32, #tpu.memory_space<hbm>> -> memref<1x128xi32, #tpu.memory_space<hbm>>
      %dma_wait3A_67 = tpu.memref_squeeze %dma_wait3A_66 : memref<1x128xi32, #tpu.memory_space<hbm>> -> memref<128xi32, #tpu.memory_space<hbm>>
      %dma_wait3A_68 = arith.constant 0 : i32
      %dma_wait3A_69 = arith.constant 0 : i32
      %dma_wait3A_70 = tpu.memref_slice %arg3[%run_scoped3A, %dma_wait3A_68, %dma_wait3A_69] : memref<2x2500x128xi32, #tpu.memory_space<hbm>> -> memref<1x2500x128xi32, #tpu.memory_space<hbm>>
      %dma_wait3A_71 = tpu.memref_squeeze %dma_wait3A_70 : memref<1x2500x128xi32, #tpu.memory_space<hbm>> -> memref<2500x128xi32, #tpu.memory_space<hbm>>
      %dma_wait3A_72 = arith.constant 0 : i32
      %dma_wait3A_73 = tpu.memref_slice %dma_wait3A_71[%mul3A_4, %dma_wait3A_72] : memref<2500x128xi32, #tpu.memory_space<hbm>> -> memref<1x128xi32, #tpu.memory_space<hbm>>
      %dma_wait3A_74 = tpu.memref_squeeze %dma_wait3A_73 : memref<1x128xi32, #tpu.memory_space<hbm>> -> memref<128xi32, #tpu.memory_space<hbm>>
      tpu.wait_dma2 semaphore(%run_scoped3A_46 : memref<!tpu.dma_semaphore, #tpu.memory_space<semaphore_mem>>) src(%dma_wait3A_74 : memref<128xi32, #tpu.memory_space<hbm>>) dst(%arg7 : memref<128xi32, #tpu.memory_space<vmem>>)
      tpu.yield
    }) : () -> ()
    %run_scoped3A_8 = arith.constant 1 : i32
    "tpu.region"() ({
      %run_scoped3A_46 = tpu.sem_alloc : memref<!tpu.dma_semaphore, #tpu.memory_space<semaphore_mem>>
      %dma_start3A_47 = arith.constant 0 : i32
      %dma_start3A_48 = arith.constant 0 : i32
      %dma_start3A_49 = tpu.memref_slice %arg3[%run_scoped3A_8, %dma_start3A_47, %dma_start3A_48] : memref<2x2500x128xi32, #tpu.memory_space<hbm>> -> memref<1x2500x128xi32, #tpu.memory_space<hbm>>
      %dma_start3A_50 = tpu.memref_squeeze %dma_start3A_49 : memref<1x2500x128xi32, #tpu.memory_space<hbm>> -> memref<2500x128xi32, #tpu.memory_space<hbm>>
      %dma_start3A_51 = arith.constant 0 : i32
      %dma_start3A_52 = tpu.memref_slice %dma_start3A_50[%mul3A_4, %dma_start3A_51] : memref<2500x128xi32, #tpu.memory_space<hbm>> -> memref<1x128xi32, #tpu.memory_space<hbm>>
      %dma_start3A_53 = tpu.memref_squeeze %dma_start3A_52 : memref<1x128xi32, #tpu.memory_space<hbm>> -> memref<128xi32, #tpu.memory_space<hbm>>
      %dma_start3A_54 = arith.constant 0 : i32
      %dma_start3A_55 = arith.constant 0 : i32
      %dma_start3A_56 = tpu.memref_slice %arg3[%run_scoped3A_8, %dma_start3A_54, %dma_start3A_55] : memref<2x2500x128xi32, #tpu.memory_space<hbm>> -> memref<1x2500x128xi32, #tpu.memory_space<hbm>>
      %dma_start3A_57 = tpu.memref_squeeze %dma_start3A_56 : memref<1x2500x128xi32, #tpu.memory_space<hbm>> -> memref<2500x128xi32, #tpu.memory_space<hbm>>
      %dma_start3A_58 = arith.constant 0 : i32
      %dma_start3A_59 = tpu.memref_slice %dma_start3A_57[%mul3A_4, %dma_start3A_58] : memref<2500x128xi32, #tpu.memory_space<hbm>> -> memref<1x128xi32, #tpu.memory_space<hbm>>
      %dma_start3A_60 = tpu.memref_squeeze %dma_start3A_59 : memref<1x128xi32, #tpu.memory_space<hbm>> -> memref<128xi32, #tpu.memory_space<hbm>>
      tpu.enqueue_dma source(%dma_start3A_60 : memref<128xi32, #tpu.memory_space<hbm>>) target(%arg9 : memref<128xi32, #tpu.memory_space<vmem>>) target_semaphore(%run_scoped3A_46 : memref<!tpu.dma_semaphore, #tpu.memory_space<semaphore_mem>>)
      %dma_wait3A_61 = arith.constant 0 : i32
      %dma_wait3A_62 = arith.constant 0 : i32
      %dma_wait3A_63 = tpu.memref_slice %arg3[%run_scoped3A_8, %dma_wait3A_61, %dma_wait3A_62] : memref<2x2500x128xi32, #tpu.memory_space<hbm>> -> memref<1x2500x128xi32, #tpu.memory_space<hbm>>
      %dma_wait3A_64 = tpu.memref_squeeze %dma_wait3A_63 : memref<1x2500x128xi32, #tpu.memory_space<hbm>> -> memref<2500x128xi32, #tpu.memory_space<hbm>>
      %dma_wait3A_65 = arith.constant 0 : i32
      %dma_wait3A_66 = tpu.memref_slice %dma_wait3A_64[%mul3A_4, %dma_wait3A_65] : memref<2500x128xi32, #tpu.memory_space<hbm>> -> memref<1x128xi32, #tpu.memory_space<hbm>>
      %dma_wait3A_67 = tpu.memref_squeeze %dma_wait3A_66 : memref<1x128xi32, #tpu.memory_space<hbm>> -> memref<128xi32, #tpu.memory_space<hbm>>
      %dma_wait3A_68 = arith.constant 0 : i32
      %dma_wait3A_69 = arith.constant 0 : i32
      %dma_wait3A_70 = tpu.memref_slice %arg3[%run_scoped3A_8, %dma_wait3A_68, %dma_wait3A_69] : memref<2x2500x128xi32, #tpu.memory_space<hbm>> -> memref<1x2500x128xi32, #tpu.memory_space<hbm>>
      %dma_wait3A_71 = tpu.memref_squeeze %dma_wait3A_70 : memref<1x2500x128xi32, #tpu.memory_space<hbm>> -> memref<2500x128xi32, #tpu.memory_space<hbm>>
      %dma_wait3A_72 = arith.constant 0 : i32
      %dma_wait3A_73 = tpu.memref_slice %dma_wait3A_71[%mul3A_4, %dma_wait3A_72] : memref<2500x128xi32, #tpu.memory_space<hbm>> -> memref<1x128xi32, #tpu.memory_space<hbm>>
      %dma_wait3A_74 = tpu.memref_squeeze %dma_wait3A_73 : memref<1x128xi32, #tpu.memory_space<hbm>> -> memref<128xi32, #tpu.memory_space<hbm>>
      tpu.wait_dma2 semaphore(%run_scoped3A_46 : memref<!tpu.dma_semaphore, #tpu.memory_space<semaphore_mem>>) src(%dma_wait3A_74 : memref<128xi32, #tpu.memory_space<hbm>>) dst(%arg9 : memref<128xi32, #tpu.memory_space<vmem>>)
      tpu.yield
    }) : () -> ()
    %dma_start3A = arith.constant 0 : i32
    %dma_start3A_9 = arith.constant 0 : i32
    %dma_start3A_10 = tpu.memref_slice %arg2[%dma_start3A, %dma_start3A_9] : memref<10000x128xf32, #tpu.memory_space<hbm>> -> memref<10000x128xf32, #tpu.memory_space<hbm>>
    tpu.enqueue_indirect_dma source(%dma_start3A_10 : memref<10000x128xf32, #tpu.memory_space<hbm>>) target(%arg11 : memref<128x128xf32, #tpu.memory_space<vmem>>) offsets(%arg7 : memref<128xi32, #tpu.memory_space<vmem>>) semaphore(%arg13 : memref<!tpu.dma_semaphore, #tpu.memory_space<semaphore_mem>>)
    %add3A_11 = arith.constant 1 : i32
    %add3A_12 = arith.addi %mul3A_4, %add3A_11 : i32
    %run_scoped3A_13 = arith.constant 0 : i32
    "tpu.region"() ({
      %run_scoped3A_46 = tpu.sem_alloc : memref<!tpu.dma_semaphore, #tpu.memory_space<semaphore_mem>>
      %dma_start3A_47 = arith.constant 0 : i32
      %dma_start3A_48 = arith.constant 0 : i32
      %dma_start3A_49 = tpu.memref_slice %arg3[%run_scoped3A_13, %dma_start3A_47, %dma_start3A_48] : memref<2x2500x128xi32, #tpu.memory_space<hbm>> -> memref<1x2500x128xi32, #tpu.memory_space<hbm>>
      %dma_start3A_50 = tpu.memref_squeeze %dma_start3A_49 : memref<1x2500x128xi32, #tpu.memory_space<hbm>> -> memref<2500x128xi32, #tpu.memory_space<hbm>>
      %dma_start3A_51 = arith.constant 0 : i32
      %dma_start3A_52 = tpu.memref_slice %dma_start3A_50[%add3A_12, %dma_start3A_51] : memref<2500x128xi32, #tpu.memory_space<hbm>> -> memref<1x128xi32, #tpu.memory_space<hbm>>
      %dma_start3A_53 = tpu.memref_squeeze %dma_start3A_52 : memref<1x128xi32, #tpu.memory_space<hbm>> -> memref<128xi32, #tpu.memory_space<hbm>>
      %dma_start3A_54 = arith.constant 0 : i32
      %dma_start3A_55 = arith.constant 0 : i32
      %dma_start3A_56 = tpu.memref_slice %arg3[%run_scoped3A_13, %dma_start3A_54, %dma_start3A_55] : memref<2x2500x128xi32, #tpu.memory_space<hbm>> -> memref<1x2500x128xi32, #tpu.memory_space<hbm>>
      %dma_start3A_57 = tpu.memref_squeeze %dma_start3A_56 : memref<1x2500x128xi32, #tpu.memory_space<hbm>> -> memref<2500x128xi32, #tpu.memory_space<hbm>>
      %dma_start3A_58 = arith.constant 0 : i32
      %dma_start3A_59 = tpu.memref_slice %dma_start3A_57[%add3A_12, %dma_start3A_58] : memref<2500x128xi32, #tpu.memory_space<hbm>> -> memref<1x128xi32, #tpu.memory_space<hbm>>
      %dma_start3A_60 = tpu.memref_squeeze %dma_start3A_59 : memref<1x128xi32, #tpu.memory_space<hbm>> -> memref<128xi32, #tpu.memory_space<hbm>>
      tpu.enqueue_dma source(%dma_start3A_60 : memref<128xi32, #tpu.memory_space<hbm>>) target(%arg8 : memref<128xi32, #tpu.memory_space<vmem>>) target_semaphore(%run_scoped3A_46 : memref<!tpu.dma_semaphore, #tpu.memory_space<semaphore_mem>>)
      %dma_wait3A_61 = arith.constant 0 : i32
      %dma_wait3A_62 = arith.constant 0 : i32
      %dma_wait3A_63 = tpu.memref_slice %arg3[%run_scoped3A_13, %dma_wait3A_61, %dma_wait3A_62] : memref<2x2500x128xi32, #tpu.memory_space<hbm>> -> memref<1x2500x128xi32, #tpu.memory_space<hbm>>
      %dma_wait3A_64 = tpu.memref_squeeze %dma_wait3A_63 : memref<1x2500x128xi32, #tpu.memory_space<hbm>> -> memref<2500x128xi32, #tpu.memory_space<hbm>>
      %dma_wait3A_65 = arith.constant 0 : i32
      %dma_wait3A_66 = tpu.memref_slice %dma_wait3A_64[%add3A_12, %dma_wait3A_65] : memref<2500x128xi32, #tpu.memory_space<hbm>> -> memref<1x128xi32, #tpu.memory_space<hbm>>
      %dma_wait3A_67 = tpu.memref_squeeze %dma_wait3A_66 : memref<1x128xi32, #tpu.memory_space<hbm>> -> memref<128xi32, #tpu.memory_space<hbm>>
      %dma_wait3A_68 = arith.constant 0 : i32
      %dma_wait3A_69 = arith.constant 0 : i32
      %dma_wait3A_70 = tpu.memref_slice %arg3[%run_scoped3A_13, %dma_wait3A_68, %dma_wait3A_69] : memref<2x2500x128xi32, #tpu.memory_space<hbm>> -> memref<1x2500x128xi32, #tpu.memory_space<hbm>>
      %dma_wait3A_71 = tpu.memref_squeeze %dma_wait3A_70 : memref<1x2500x128xi32, #tpu.memory_space<hbm>> -> memref<2500x128xi32, #tpu.memory_space<hbm>>
      %dma_wait3A_72 = arith.constant 0 : i32
      %dma_wait3A_73 = tpu.memref_slice %dma_wait3A_71[%add3A_12, %dma_wait3A_72] : memref<2500x128xi32, #tpu.memory_space<hbm>> -> memref<1x128xi32, #tpu.memory_space<hbm>>
      %dma_wait3A_74 = tpu.memref_squeeze %dma_wait3A_73 : memref<1x128xi32, #tpu.memory_space<hbm>> -> memref<128xi32, #tpu.memory_space<hbm>>
      tpu.wait_dma2 semaphore(%run_scoped3A_46 : memref<!tpu.dma_semaphore, #tpu.memory_space<semaphore_mem>>) src(%dma_wait3A_74 : memref<128xi32, #tpu.memory_space<hbm>>) dst(%arg8 : memref<128xi32, #tpu.memory_space<vmem>>)
      tpu.yield
    }) : () -> ()
    %add3A_14 = arith.constant 1 : i32
    %add3A_15 = arith.addi %mul3A_4, %add3A_14 : i32
    %run_scoped3A_16 = arith.constant 1 : i32
    "tpu.region"() ({
      %run_scoped3A_46 = tpu.sem_alloc : memref<!tpu.dma_semaphore, #tpu.memory_space<semaphore_mem>>
      %dma_start3A_47 = arith.constant 0 : i32
      %dma_start3A_48 = arith.constant 0 : i32
      %dma_start3A_49 = tpu.memref_slice %arg3[%run_scoped3A_16, %dma_start3A_47, %dma_start3A_48] : memref<2x2500x128xi32, #tpu.memory_space<hbm>> -> memref<1x2500x128xi32, #tpu.memory_space<hbm>>
      %dma_start3A_50 = tpu.memref_squeeze %dma_start3A_49 : memref<1x2500x128xi32, #tpu.memory_space<hbm>> -> memref<2500x128xi32, #tpu.memory_space<hbm>>
      %dma_start3A_51 = arith.constant 0 : i32
      %dma_start3A_52 = tpu.memref_slice %dma_start3A_50[%add3A_15, %dma_start3A_51] : memref<2500x128xi32, #tpu.memory_space<hbm>> -> memref<1x128xi32, #tpu.memory_space<hbm>>
      %dma_start3A_53 = tpu.memref_squeeze %dma_start3A_52 : memref<1x128xi32, #tpu.memory_space<hbm>> -> memref<128xi32, #tpu.memory_space<hbm>>
      %dma_start3A_54 = arith.constant 0 : i32
      %dma_start3A_55 = arith.constant 0 : i32
      %dma_start3A_56 = tpu.memref_slice %arg3[%run_scoped3A_16, %dma_start3A_54, %dma_start3A_55] : memref<2x2500x128xi32, #tpu.memory_space<hbm>> -> memref<1x2500x128xi32, #tpu.memory_space<hbm>>
      %dma_start3A_57 = tpu.memref_squeeze %dma_start3A_56 : memref<1x2500x128xi32, #tpu.memory_space<hbm>> -> memref<2500x128xi32, #tpu.memory_space<hbm>>
      %dma_start3A_58 = arith.constant 0 : i32
      %dma_start3A_59 = tpu.memref_slice %dma_start3A_57[%add3A_15, %dma_start3A_58] : memref<2500x128xi32, #tpu.memory_space<hbm>> -> memref<1x128xi32, #tpu.memory_space<hbm>>
      %dma_start3A_60 = tpu.memref_squeeze %dma_start3A_59 : memref<1x128xi32, #tpu.memory_space<hbm>> -> memref<128xi32, #tpu.memory_space<hbm>>
      tpu.enqueue_dma source(%dma_start3A_60 : memref<128xi32, #tpu.memory_space<hbm>>) target(%arg10 : memref<128xi32, #tpu.memory_space<vmem>>) target_semaphore(%run_scoped3A_46 : memref<!tpu.dma_semaphore, #tpu.memory_space<semaphore_mem>>)
      %dma_wait3A_61 = arith.constant 0 : i32
      %dma_wait3A_62 = arith.constant 0 : i32
      %dma_wait3A_63 = tpu.memref_slice %arg3[%run_scoped3A_16, %dma_wait3A_61, %dma_wait3A_62] : memref<2x2500x128xi32, #tpu.memory_space<hbm>> -> memref<1x2500x128xi32, #tpu.memory_space<hbm>>
      %dma_wait3A_64 = tpu.memref_squeeze %dma_wait3A_63 : memref<1x2500x128xi32, #tpu.memory_space<hbm>> -> memref<2500x128xi32, #tpu.memory_space<hbm>>
      %dma_wait3A_65 = arith.constant 0 : i32
      %dma_wait3A_66 = tpu.memref_slice %dma_wait3A_64[%add3A_15, %dma_wait3A_65] : memref<2500x128xi32, #tpu.memory_space<hbm>> -> memref<1x128xi32, #tpu.memory_space<hbm>>
      %dma_wait3A_67 = tpu.memref_squeeze %dma_wait3A_66 : memref<1x128xi32, #tpu.memory_space<hbm>> -> memref<128xi32, #tpu.memory_space<hbm>>
      %dma_wait3A_68 = arith.constant 0 : i32
      %dma_wait3A_69 = arith.constant 0 : i32
      %dma_wait3A_70 = tpu.memref_slice %arg3[%run_scoped3A_16, %dma_wait3A_68, %dma_wait3A_69] : memref<2x2500x128xi32, #tpu.memory_space<hbm>> -> memref<1x2500x128xi32, #tpu.memory_space<hbm>>
      %dma_wait3A_71 = tpu.memref_squeeze %dma_wait3A_70 : memref<1x2500x128xi32, #tpu.memory_space<hbm>> -> memref<2500x128xi32, #tpu.memory_space<hbm>>
      %dma_wait3A_72 = arith.constant 0 : i32
      %dma_wait3A_73 = tpu.memref_slice %dma_wait3A_71[%add3A_15, %dma_wait3A_72] : memref<2500x128xi32, #tpu.memory_space<hbm>> -> memref<1x128xi32, #tpu.memory_space<hbm>>
      %dma_wait3A_74 = tpu.memref_squeeze %dma_wait3A_73 : memref<1x128xi32, #tpu.memory_space<hbm>> -> memref<128xi32, #tpu.memory_space<hbm>>
      tpu.wait_dma2 semaphore(%run_scoped3A_46 : memref<!tpu.dma_semaphore, #tpu.memory_space<semaphore_mem>>) src(%dma_wait3A_74 : memref<128xi32, #tpu.memory_space<hbm>>) dst(%arg10 : memref<128xi32, #tpu.memory_space<vmem>>)
      tpu.yield
    }) : () -> ()
    %dma_start3A_17 = arith.constant 0 : i32
    %dma_start3A_18 = arith.constant 0 : i32
    %dma_start3A_19 = tpu.memref_slice %arg2[%dma_start3A_17, %dma_start3A_18] : memref<10000x128xf32, #tpu.memory_space<hbm>> -> memref<10000x128xf32, #tpu.memory_space<hbm>>
    tpu.enqueue_indirect_dma source(%dma_start3A_19 : memref<10000x128xf32, #tpu.memory_space<hbm>>) target(%arg12 : memref<128x128xf32, #tpu.memory_space<vmem>>) offsets(%arg8 : memref<128xi32, #tpu.memory_space<vmem>>) semaphore(%arg14 : memref<!tpu.dma_semaphore, #tpu.memory_space<semaphore_mem>>)
    %scan3A = arith.constant 0 : i32
    %scan3A_20 = arith.constant 0 : i32
    %scan3A_21 = arith.constant 1 : i32
    %scan3A_22 = arith.constant 0 : i32
    %scan3A_23 = arith.constant 39 : i32
    %scan3A_24 = arith.addi %scan3A_22, %scan3A_23 : i32
    %scan3A_25 = arith.constant 1 : i32
    scf.for %scan3A_46 = %scan3A_22 to %scan3A_24 step %scan3A_25  : i32 {
      %mul3A_47 = arith.constant 2 : i32
      %mul3A_48 = arith.muli %mul3A_47, %scan3A_46 : i32
      %add3A_49 = arith.addi %mul3A_4, %mul3A_48 : i32
      %add3A_50 = arith.constant 2 : i32
      %add3A_51 = arith.addi %add3A_49, %add3A_50 : i32
      %min3A = arith.minsi %add3A_51, %sub3A_7 : i32
      %add3A_52 = arith.addi %mul3A_4, %mul3A_48 : i32
      %add3A_53 = arith.constant 3 : i32
      %add3A_54 = arith.addi %add3A_52, %add3A_53 : i32
      %min3A_55 = arith.minsi %add3A_54, %sub3A_7 : i32
      %dma_wait3A_56 = arith.constant 0 : i32
      %dma_wait3A_57 = arith.constant 0 : i32
      %dma_wait3A_58 = tpu.memref_slice %arg2[%dma_wait3A_56, %dma_wait3A_57] : memref<10000x128xf32, #tpu.memory_space<hbm>> -> memref<10000x128xf32, #tpu.memory_space<hbm>>
      tpu.wait_indirect_dma semaphore(%arg13 : memref<!tpu.dma_semaphore, #tpu.memory_space<semaphore_mem>>) src(%dma_wait3A_58 : memref<10000x128xf32, #tpu.memory_space<hbm>>) dst(%arg11 : memref<128x128xf32, #tpu.memory_space<vmem>>)
      "tpu.region"() ({
        %run_scoped3A_68 = tpu.sem_alloc : memref<!tpu.dma_semaphore, #tpu.memory_space<semaphore_mem>>
        %dma_start3A_69 = arith.constant 0 : i32
        %dma_start3A_70 = arith.constant 0 : i32
        %dma_start3A_71 = tpu.memref_slice %arg6[%dma_start3A_69, %dma_start3A_70] : memref<10240x128xf32, #tpu.memory_space<vmem_shared>> -> memref<10240x128xf32, #tpu.memory_space<vmem_shared>>
        tpu.enqueue_indirect_dma source(%arg11 : memref<128x128xf32, #tpu.memory_space<vmem>>) target(%dma_start3A_71 : memref<10240x128xf32, #tpu.memory_space<vmem_shared>>) offsets(%arg9 : memref<128xi32, #tpu.memory_space<vmem>>) semaphore(%run_scoped3A_68 : memref<!tpu.dma_semaphore, #tpu.memory_space<semaphore_mem>>) {add = true}
        %dma_wait3A_72 = arith.constant 0 : i32
        %dma_wait3A_73 = arith.constant 0 : i32
        %dma_wait3A_74 = tpu.memref_slice %arg6[%dma_wait3A_72, %dma_wait3A_73] : memref<10240x128xf32, #tpu.memory_space<vmem_shared>> -> memref<10240x128xf32, #tpu.memory_space<vmem_shared>>
        tpu.wait_indirect_dma semaphore(%run_scoped3A_68 : memref<!tpu.dma_semaphore, #tpu.memory_space<semaphore_mem>>) src(%arg11 : memref<128x128xf32, #tpu.memory_space<vmem>>) dst(%dma_wait3A_74 : memref<10240x128xf32, #tpu.memory_space<vmem_shared>>)
        tpu.yield
      }) : () -> ()
      "tpu.region"() ({
        %run_scoped3A_68 = tpu.sem_alloc : memref<!tpu.dma_semaphore, #tpu.memory_space<semaphore_mem>>
        %dma_start3A_69 = arith.constant 0 : i32
        %dma_start3A_70 = arith.constant 0 : i32
        %dma_start3A_71 = tpu.memref_slice %arg3[%scan3A_20, %dma_start3A_69, %dma_start3A_70] : memref<2x2500x128xi32, #tpu.memory_space<hbm>> -> memref<1x2500x128xi32, #tpu.memory_space<hbm>>
        %dma_start3A_72 = tpu.memref_squeeze %dma_start3A_71 : memref<1x2500x128xi32, #tpu.memory_space<hbm>> -> memref<2500x128xi32, #tpu.memory_space<hbm>>
        %dma_start3A_73 = arith.constant 0 : i32
        %dma_start3A_74 = tpu.memref_slice %dma_start3A_72[%min3A, %dma_start3A_73] : memref<2500x128xi32, #tpu.memory_space<hbm>> -> memref<1x128xi32, #tpu.memory_space<hbm>>
        %dma_start3A_75 = tpu.memref_squeeze %dma_start3A_74 : memref<1x128xi32, #tpu.memory_space<hbm>> -> memref<128xi32, #tpu.memory_space<hbm>>
        %dma_start3A_76 = arith.constant 0 : i32
        %dma_start3A_77 = arith.constant 0 : i32
        %dma_start3A_78 = tpu.memref_slice %arg3[%scan3A_20, %dma_start3A_76, %dma_start3A_77] : memref<2x2500x128xi32, #tpu.memory_space<hbm>> -> memref<1x2500x128xi32, #tpu.memory_space<hbm>>
        %dma_start3A_79 = tpu.memref_squeeze %dma_start3A_78 : memref<1x2500x128xi32, #tpu.memory_space<hbm>> -> memref<2500x128xi32, #tpu.memory_space<hbm>>
        %dma_start3A_80 = arith.constant 0 : i32
        %dma_start3A_81 = tpu.memref_slice %dma_start3A_79[%min3A, %dma_start3A_80] : memref<2500x128xi32, #tpu.memory_space<hbm>> -> memref<1x128xi32, #tpu.memory_space<hbm>>
        %dma_start3A_82 = tpu.memref_squeeze %dma_start3A_81 : memref<1x128xi32, #tpu.memory_space<hbm>> -> memref<128xi32, #tpu.memory_space<hbm>>
        tpu.enqueue_dma source(%dma_start3A_82 : memref<128xi32, #tpu.memory_space<hbm>>) target(%arg7 : memref<128xi32, #tpu.memory_space<vmem>>) target_semaphore(%run_scoped3A_68 : memref<!tpu.dma_semaphore, #tpu.memory_space<semaphore_mem>>)
        %dma_wait3A_83 = arith.constant 0 : i32
        %dma_wait3A_84 = arith.constant 0 : i32
        %dma_wait3A_85 = tpu.memref_slice %arg3[%scan3A_20, %dma_wait3A_83, %dma_wait3A_84] : memref<2x2500x128xi32, #tpu.memory_space<hbm>> -> memref<1x2500x128xi32, #tpu.memory_space<hbm>>
        %dma_wait3A_86 = tpu.memref_squeeze %dma_wait3A_85 : memref<1x2500x128xi32, #tpu.memory_space<hbm>> -> memref<2500x128xi32, #tpu.memory_space<hbm>>
        %dma_wait3A_87 = arith.constant 0 : i32
        %dma_wait3A_88 = tpu.memref_slice %dma_wait3A_86[%min3A, %dma_wait3A_87] : memref<2500x128xi32, #tpu.memory_space<hbm>> -> memref<1x128xi32, #tpu.memory_space<hbm>>
        %dma_wait3A_89 = tpu.memref_squeeze %dma_wait3A_88 : memref<1x128xi32, #tpu.memory_space<hbm>> -> memref<128xi32, #tpu.memory_space<hbm>>
        %dma_wait3A_90 = arith.constant 0 : i32
        %dma_wait3A_91 = arith.constant 0 : i32
        %dma_wait3A_92 = tpu.memref_slice %arg3[%scan3A_20, %dma_wait3A_90, %dma_wait3A_91] : memref<2x2500x128xi32, #tpu.memory_space<hbm>> -> memref<1x2500x128xi32, #tpu.memory_space<hbm>>
        %dma_wait3A_93 = tpu.memref_squeeze %dma_wait3A_92 : memref<1x2500x128xi32, #tpu.memory_space<hbm>> -> memref<2500x128xi32, #tpu.memory_space<hbm>>
        %dma_wait3A_94 = arith.constant 0 : i32
        %dma_wait3A_95 = tpu.memref_slice %dma_wait3A_93[%min3A, %dma_wait3A_94] : memref<2500x128xi32, #tpu.memory_space<hbm>> -> memref<1x128xi32, #tpu.memory_space<hbm>>
        %dma_wait3A_96 = tpu.memref_squeeze %dma_wait3A_95 : memref<1x128xi32, #tpu.memory_space<hbm>> -> memref<128xi32, #tpu.memory_space<hbm>>
        tpu.wait_dma2 semaphore(%run_scoped3A_68 : memref<!tpu.dma_semaphore, #tpu.memory_space<semaphore_mem>>) src(%dma_wait3A_96 : memref<128xi32, #tpu.memory_space<hbm>>) dst(%arg7 : memref<128xi32, #tpu.memory_space<vmem>>)
        tpu.yield
      }) : () -> ()
      "tpu.region"() ({
        %run_scoped3A_68 = tpu.sem_alloc : memref<!tpu.dma_semaphore, #tpu.memory_space<semaphore_mem>>
        %dma_start3A_69 = arith.constant 0 : i32
        %dma_start3A_70 = arith.constant 0 : i32
        %dma_start3A_71 = tpu.memref_slice %arg3[%scan3A_21, %dma_start3A_69, %dma_start3A_70] : memref<2x2500x128xi32, #tpu.memory_space<hbm>> -> memref<1x2500x128xi32, #tpu.memory_space<hbm>>
        %dma_start3A_72 = tpu.memref_squeeze %dma_start3A_71 : memref<1x2500x128xi32, #tpu.memory_space<hbm>> -> memref<2500x128xi32, #tpu.memory_space<hbm>>
        %dma_start3A_73 = arith.constant 0 : i32
        %dma_start3A_74 = tpu.memref_slice %dma_start3A_72[%min3A, %dma_start3A_73] : memref<2500x128xi32, #tpu.memory_space<hbm>> -> memref<1x128xi32, #tpu.memory_space<hbm>>
        %dma_start3A_75 = tpu.memref_squeeze %dma_start3A_74 : memref<1x128xi32, #tpu.memory_space<hbm>> -> memref<128xi32, #tpu.memory_space<hbm>>
        %dma_start3A_76 = arith.constant 0 : i32
        %dma_start3A_77 = arith.constant 0 : i32
        %dma_start3A_78 = tpu.memref_slice %arg3[%scan3A_21, %dma_start3A_76, %dma_start3A_77] : memref<2x2500x128xi32, #tpu.memory_space<hbm>> -> memref<1x2500x128xi32, #tpu.memory_space<hbm>>
        %dma_start3A_79 = tpu.memref_squeeze %dma_start3A_78 : memref<1x2500x128xi32, #tpu.memory_space<hbm>> -> memref<2500x128xi32, #tpu.memory_space<hbm>>
        %dma_start3A_80 = arith.constant 0 : i32
        %dma_start3A_81 = tpu.memref_slice %dma_start3A_79[%min3A, %dma_start3A_80] : memref<2500x128xi32, #tpu.memory_space<hbm>> -> memref<1x128xi32, #tpu.memory_space<hbm>>
        %dma_start3A_82 = tpu.memref_squeeze %dma_start3A_81 : memref<1x128xi32, #tpu.memory_space<hbm>> -> memref<128xi32, #tpu.memory_space<hbm>>
        tpu.enqueue_dma source(%dma_start3A_82 : memref<128xi32, #tpu.memory_space<hbm>>) target(%arg9 : memref<128xi32, #tpu.memory_space<vmem>>) target_semaphore(%run_scoped3A_68 : memref<!tpu.dma_semaphore, #tpu.memory_space<semaphore_mem>>)
        %dma_wait3A_83 = arith.constant 0 : i32
        %dma_wait3A_84 = arith.constant 0 : i32
        %dma_wait3A_85 = tpu.memref_slice %arg3[%scan3A_21, %dma_wait3A_83, %dma_wait3A_84] : memref<2x2500x128xi32, #tpu.memory_space<hbm>> -> memref<1x2500x128xi32, #tpu.memory_space<hbm>>
        %dma_wait3A_86 = tpu.memref_squeeze %dma_wait3A_85 : memref<1x2500x128xi32, #tpu.memory_space<hbm>> -> memref<2500x128xi32, #tpu.memory_space<hbm>>
        %dma_wait3A_87 = arith.constant 0 : i32
        %dma_wait3A_88 = tpu.memref_slice %dma_wait3A_86[%min3A, %dma_wait3A_87] : memref<2500x128xi32, #tpu.memory_space<hbm>> -> memref<1x128xi32, #tpu.memory_space<hbm>>
        %dma_wait3A_89 = tpu.memref_squeeze %dma_wait3A_88 : memref<1x128xi32, #tpu.memory_space<hbm>> -> memref<128xi32, #tpu.memory_space<hbm>>
        %dma_wait3A_90 = arith.constant 0 : i32
        %dma_wait3A_91 = arith.constant 0 : i32
        %dma_wait3A_92 = tpu.memref_slice %arg3[%scan3A_21, %dma_wait3A_90, %dma_wait3A_91] : memref<2x2500x128xi32, #tpu.memory_space<hbm>> -> memref<1x2500x128xi32, #tpu.memory_space<hbm>>
        %dma_wait3A_93 = tpu.memref_squeeze %dma_wait3A_92 : memref<1x2500x128xi32, #tpu.memory_space<hbm>> -> memref<2500x128xi32, #tpu.memory_space<hbm>>
        %dma_wait3A_94 = arith.constant 0 : i32
        %dma_wait3A_95 = tpu.memref_slice %dma_wait3A_93[%min3A, %dma_wait3A_94] : memref<2500x128xi32, #tpu.memory_space<hbm>> -> memref<1x128xi32, #tpu.memory_space<hbm>>
        %dma_wait3A_96 = tpu.memref_squeeze %dma_wait3A_95 : memref<1x128xi32, #tpu.memory_space<hbm>> -> memref<128xi32, #tpu.memory_space<hbm>>
        tpu.wait_dma2 semaphore(%run_scoped3A_68 : memref<!tpu.dma_semaphore, #tpu.memory_space<semaphore_mem>>) src(%dma_wait3A_96 : memref<128xi32, #tpu.memory_space<hbm>>) dst(%arg9 : memref<128xi32, #tpu.memory_space<vmem>>)
        tpu.yield
      }) : () -> ()
      %dma_start3A_59 = arith.constant 0 : i32
      %dma_start3A_60 = arith.constant 0 : i32
      %dma_start3A_61 = tpu.memref_slice %arg2[%dma_start3A_59, %dma_start3A_60] : memref<10000x128xf32, #tpu.memory_space<hbm>> -> memref<10000x128xf32, #tpu.memory_space<hbm>>
      tpu.enqueue_indirect_dma source(%dma_start3A_61 : memref<10000x128xf32, #tpu.memory_space<hbm>>) target(%arg11 : memref<128x128xf32, #tpu.memory_space<vmem>>) offsets(%arg7 : memref<128xi32, #tpu.memory_space<vmem>>) semaphore(%arg13 : memref<!tpu.dma_semaphore, #tpu.memory_space<semaphore_mem>>)
      %dma_wait3A_62 = arith.constant 0 : i32
      %dma_wait3A_63 = arith.constant 0 : i32
      %dma_wait3A_64 = tpu.memref_slice %arg2[%dma_wait3A_62, %dma_wait3A_63] : memref<10000x128xf32, #tpu.memory_space<hbm>> -> memref<10000x128xf32, #tpu.memory_space<hbm>>
      tpu.wait_indirect_dma semaphore(%arg14 : memref<!tpu.dma_semaphore, #tpu.memory_space<semaphore_mem>>) src(%dma_wait3A_64 : memref<10000x128xf32, #tpu.memory_space<hbm>>) dst(%arg12 : memref<128x128xf32, #tpu.memory_space<vmem>>)
      "tpu.region"() ({
        %run_scoped3A_68 = tpu.sem_alloc : memref<!tpu.dma_semaphore, #tpu.memory_space<semaphore_mem>>
        %dma_start3A_69 = arith.constant 0 : i32
        %dma_start3A_70 = arith.constant 0 : i32
        %dma_start3A_71 = tpu.memref_slice %arg6[%dma_start3A_69, %dma_start3A_70] : memref<10240x128xf32, #tpu.memory_space<vmem_shared>> -> memref<10240x128xf32, #tpu.memory_space<vmem_shared>>
        tpu.enqueue_indirect_dma source(%arg12 : memref<128x128xf32, #tpu.memory_space<vmem>>) target(%dma_start3A_71 : memref<10240x128xf32, #tpu.memory_space<vmem_shared>>) offsets(%arg10 : memref<128xi32, #tpu.memory_space<vmem>>) semaphore(%run_scoped3A_68 : memref<!tpu.dma_semaphore, #tpu.memory_space<semaphore_mem>>) {add = true}
        %dma_wait3A_72 = arith.constant 0 : i32
        %dma_wait3A_73 = arith.constant 0 : i32
        %dma_wait3A_74 = tpu.memref_slice %arg6[%dma_wait3A_72, %dma_wait3A_73] : memref<10240x128xf32, #tpu.memory_space<vmem_shared>> -> memref<10240x128xf32, #tpu.memory_space<vmem_shared>>
        tpu.wait_indirect_dma semaphore(%run_scoped3A_68 : memref<!tpu.dma_semaphore, #tpu.memory_space<semaphore_mem>>) src(%arg12 : memref<128x128xf32, #tpu.memory_space<vmem>>) dst(%dma_wait3A_74 : memref<10240x128xf32, #tpu.memory_space<vmem_shared>>)
        tpu.yield
      }) : () -> ()
      "tpu.region"() ({
        %run_scoped3A_68 = tpu.sem_alloc : memref<!tpu.dma_semaphore, #tpu.memory_space<semaphore_mem>>
        %dma_start3A_69 = arith.constant 0 : i32
        %dma_start3A_70 = arith.constant 0 : i32
        %dma_start3A_71 = tpu.memref_slice %arg3[%scan3A_20, %dma_start3A_69, %dma_start3A_70] : memref<2x2500x128xi32, #tpu.memory_space<hbm>> -> memref<1x2500x128xi32, #tpu.memory_space<hbm>>
        %dma_start3A_72 = tpu.memref_squeeze %dma_start3A_71 : memref<1x2500x128xi32, #tpu.memory_space<hbm>> -> memref<2500x128xi32, #tpu.memory_space<hbm>>
        %dma_start3A_73 = arith.constant 0 : i32
        %dma_start3A_74 = tpu.memref_slice %dma_start3A_72[%min3A_55, %dma_start3A_73] : memref<2500x128xi32, #tpu.memory_space<hbm>> -> memref<1x128xi32, #tpu.memory_space<hbm>>
        %dma_start3A_75 = tpu.memref_squeeze %dma_start3A_74 : memref<1x128xi32, #tpu.memory_space<hbm>> -> memref<128xi32, #tpu.memory_space<hbm>>
        %dma_start3A_76 = arith.constant 0 : i32
        %dma_start3A_77 = arith.constant 0 : i32
        %dma_start3A_78 = tpu.memref_slice %arg3[%scan3A_20, %dma_start3A_76, %dma_start3A_77] : memref<2x2500x128xi32, #tpu.memory_space<hbm>> -> memref<1x2500x128xi32, #tpu.memory_space<hbm>>
        %dma_start3A_79 = tpu.memref_squeeze %dma_start3A_78 : memref<1x2500x128xi32, #tpu.memory_space<hbm>> -> memref<2500x128xi32, #tpu.memory_space<hbm>>
        %dma_start3A_80 = arith.constant 0 : i32
        %dma_start3A_81 = tpu.memref_slice %dma_start3A_79[%min3A_55, %dma_start3A_80] : memref<2500x128xi32, #tpu.memory_space<hbm>> -> memref<1x128xi32, #tpu.memory_space<hbm>>
        %dma_start3A_82 = tpu.memref_squeeze %dma_start3A_81 : memref<1x128xi32, #tpu.memory_space<hbm>> -> memref<128xi32, #tpu.memory_space<hbm>>
        tpu.enqueue_dma source(%dma_start3A_82 : memref<128xi32, #tpu.memory_space<hbm>>) target(%arg8 : memref<128xi32, #tpu.memory_space<vmem>>) target_semaphore(%run_scoped3A_68 : memref<!tpu.dma_semaphore, #tpu.memory_space<semaphore_mem>>)
        %dma_wait3A_83 = arith.constant 0 : i32
        %dma_wait3A_84 = arith.constant 0 : i32
        %dma_wait3A_85 = tpu.memref_slice %arg3[%scan3A_20, %dma_wait3A_83, %dma_wait3A_84] : memref<2x2500x128xi32, #tpu.memory_space<hbm>> -> memref<1x2500x128xi32, #tpu.memory_space<hbm>>
        %dma_wait3A_86 = tpu.memref_squeeze %dma_wait3A_85 : memref<1x2500x128xi32, #tpu.memory_space<hbm>> -> memref<2500x128xi32, #tpu.memory_space<hbm>>
        %dma_wait3A_87 = arith.constant 0 : i32
        %dma_wait3A_88 = tpu.memref_slice %dma_wait3A_86[%min3A_55, %dma_wait3A_87] : memref<2500x128xi32, #tpu.memory_space<hbm>> -> memref<1x128xi32, #tpu.memory_space<hbm>>
        %dma_wait3A_89 = tpu.memref_squeeze %dma_wait3A_88 : memref<1x128xi32, #tpu.memory_space<hbm>> -> memref<128xi32, #tpu.memory_space<hbm>>
        %dma_wait3A_90 = arith.constant 0 : i32
        %dma_wait3A_91 = arith.constant 0 : i32
        %dma_wait3A_92 = tpu.memref_slice %arg3[%scan3A_20, %dma_wait3A_90, %dma_wait3A_91] : memref<2x2500x128xi32, #tpu.memory_space<hbm>> -> memref<1x2500x128xi32, #tpu.memory_space<hbm>>
        %dma_wait3A_93 = tpu.memref_squeeze %dma_wait3A_92 : memref<1x2500x128xi32, #tpu.memory_space<hbm>> -> memref<2500x128xi32, #tpu.memory_space<hbm>>
        %dma_wait3A_94 = arith.constant 0 : i32
        %dma_wait3A_95 = tpu.memref_slice %dma_wait3A_93[%min3A_55, %dma_wait3A_94] : memref<2500x128xi32, #tpu.memory_space<hbm>> -> memref<1x128xi32, #tpu.memory_space<hbm>>
        %dma_wait3A_96 = tpu.memref_squeeze %dma_wait3A_95 : memref<1x128xi32, #tpu.memory_space<hbm>> -> memref<128xi32, #tpu.memory_space<hbm>>
        tpu.wait_dma2 semaphore(%run_scoped3A_68 : memref<!tpu.dma_semaphore, #tpu.memory_space<semaphore_mem>>) src(%dma_wait3A_96 : memref<128xi32, #tpu.memory_space<hbm>>) dst(%arg8 : memref<128xi32, #tpu.memory_space<vmem>>)
        tpu.yield
      }) : () -> ()
      "tpu.region"() ({
        %run_scoped3A_68 = tpu.sem_alloc : memref<!tpu.dma_semaphore, #tpu.memory_space<semaphore_mem>>
        %dma_start3A_69 = arith.constant 0 : i32
        %dma_start3A_70 = arith.constant 0 : i32
        %dma_start3A_71 = tpu.memref_slice %arg3[%scan3A_21, %dma_start3A_69, %dma_start3A_70] : memref<2x2500x128xi32, #tpu.memory_space<hbm>> -> memref<1x2500x128xi32, #tpu.memory_space<hbm>>
        %dma_start3A_72 = tpu.memref_squeeze %dma_start3A_71 : memref<1x2500x128xi32, #tpu.memory_space<hbm>> -> memref<2500x128xi32, #tpu.memory_space<hbm>>
        %dma_start3A_73 = arith.constant 0 : i32
        %dma_start3A_74 = tpu.memref_slice %dma_start3A_72[%min3A_55, %dma_start3A_73] : memref<2500x128xi32, #tpu.memory_space<hbm>> -> memref<1x128xi32, #tpu.memory_space<hbm>>
        %dma_start3A_75 = tpu.memref_squeeze %dma_start3A_74 : memref<1x128xi32, #tpu.memory_space<hbm>> -> memref<128xi32, #tpu.memory_space<hbm>>
        %dma_start3A_76 = arith.constant 0 : i32
        %dma_start3A_77 = arith.constant 0 : i32
        %dma_start3A_78 = tpu.memref_slice %arg3[%scan3A_21, %dma_start3A_76, %dma_start3A_77] : memref<2x2500x128xi32, #tpu.memory_space<hbm>> -> memref<1x2500x128xi32, #tpu.memory_space<hbm>>
        %dma_start3A_79 = tpu.memref_squeeze %dma_start3A_78 : memref<1x2500x128xi32, #tpu.memory_space<hbm>> -> memref<2500x128xi32, #tpu.memory_space<hbm>>
        %dma_start3A_80 = arith.constant 0 : i32
        %dma_start3A_81 = tpu.memref_slice %dma_start3A_79[%min3A_55, %dma_start3A_80] : memref<2500x128xi32, #tpu.memory_space<hbm>> -> memref<1x128xi32, #tpu.memory_space<hbm>>
        %dma_start3A_82 = tpu.memref_squeeze %dma_start3A_81 : memref<1x128xi32, #tpu.memory_space<hbm>> -> memref<128xi32, #tpu.memory_space<hbm>>
        tpu.enqueue_dma source(%dma_start3A_82 : memref<128xi32, #tpu.memory_space<hbm>>) target(%arg10 : memref<128xi32, #tpu.memory_space<vmem>>) target_semaphore(%run_scoped3A_68 : memref<!tpu.dma_semaphore, #tpu.memory_space<semaphore_mem>>)
        %dma_wait3A_83 = arith.constant 0 : i32
        %dma_wait3A_84 = arith.constant 0 : i32
        %dma_wait3A_85 = tpu.memref_slice %arg3[%scan3A_21, %dma_wait3A_83, %dma_wait3A_84] : memref<2x2500x128xi32, #tpu.memory_space<hbm>> -> memref<1x2500x128xi32, #tpu.memory_space<hbm>>
        %dma_wait3A_86 = tpu.memref_squeeze %dma_wait3A_85 : memref<1x2500x128xi32, #tpu.memory_space<hbm>> -> memref<2500x128xi32, #tpu.memory_space<hbm>>
        %dma_wait3A_87 = arith.constant 0 : i32
        %dma_wait3A_88 = tpu.memref_slice %dma_wait3A_86[%min3A_55, %dma_wait3A_87] : memref<2500x128xi32, #tpu.memory_space<hbm>> -> memref<1x128xi32, #tpu.memory_space<hbm>>
        %dma_wait3A_89 = tpu.memref_squeeze %dma_wait3A_88 : memref<1x128xi32, #tpu.memory_space<hbm>> -> memref<128xi32, #tpu.memory_space<hbm>>
        %dma_wait3A_90 = arith.constant 0 : i32
        %dma_wait3A_91 = arith.constant 0 : i32
        %dma_wait3A_92 = tpu.memref_slice %arg3[%scan3A_21, %dma_wait3A_90, %dma_wait3A_91] : memref<2x2500x128xi32, #tpu.memory_space<hbm>> -> memref<1x2500x128xi32, #tpu.memory_space<hbm>>
        %dma_wait3A_93 = tpu.memref_squeeze %dma_wait3A_92 : memref<1x2500x128xi32, #tpu.memory_space<hbm>> -> memref<2500x128xi32, #tpu.memory_space<hbm>>
        %dma_wait3A_94 = arith.constant 0 : i32
        %dma_wait3A_95 = tpu.memref_slice %dma_wait3A_93[%min3A_55, %dma_wait3A_94] : memref<2500x128xi32, #tpu.memory_space<hbm>> -> memref<1x128xi32, #tpu.memory_space<hbm>>
        %dma_wait3A_96 = tpu.memref_squeeze %dma_wait3A_95 : memref<1x128xi32, #tpu.memory_space<hbm>> -> memref<128xi32, #tpu.memory_space<hbm>>
        tpu.wait_dma2 semaphore(%run_scoped3A_68 : memref<!tpu.dma_semaphore, #tpu.memory_space<semaphore_mem>>) src(%dma_wait3A_96 : memref<128xi32, #tpu.memory_space<hbm>>) dst(%arg10 : memref<128xi32, #tpu.memory_space<vmem>>)
        tpu.yield
      }) : () -> ()
      %dma_start3A_65 = arith.constant 0 : i32
      %dma_start3A_66 = arith.constant 0 : i32
      %dma_start3A_67 = tpu.memref_slice %arg2[%dma_start3A_65, %dma_start3A_66] : memref<10000x128xf32, #tpu.memory_space<hbm>> -> memref<10000x128xf32, #tpu.memory_space<hbm>>
      tpu.enqueue_indirect_dma source(%dma_start3A_67 : memref<10000x128xf32, #tpu.memory_space<hbm>>) target(%arg12 : memref<128x128xf32, #tpu.memory_space<vmem>>) offsets(%arg8 : memref<128xi32, #tpu.memory_space<vmem>>) semaphore(%arg14 : memref<!tpu.dma_semaphore, #tpu.memory_space<semaphore_mem>>)
    }
    %scan3A_26 = arith.constant 39 : i32
    %dma_wait3A = arith.constant 0 : i32
    %dma_wait3A_27 = arith.constant 0 : i32
    %dma_wait3A_28 = tpu.memref_slice %arg2[%dma_wait3A, %dma_wait3A_27] : memref<10000x128xf32, #tpu.memory_space<hbm>> -> memref<10000x128xf32, #tpu.memory_space<hbm>>
    tpu.wait_indirect_dma semaphore(%arg13 : memref<!tpu.dma_semaphore, #tpu.memory_space<semaphore_mem>>) src(%dma_wait3A_28 : memref<10000x128xf32, #tpu.memory_space<hbm>>) dst(%arg11 : memref<128x128xf32, #tpu.memory_space<vmem>>)
    %dma_wait3A_29 = arith.constant 0 : i32
    %dma_wait3A_30 = arith.constant 0 : i32
    %dma_wait3A_31 = tpu.memref_slice %arg2[%dma_wait3A_29, %dma_wait3A_30] : memref<10000x128xf32, #tpu.memory_space<hbm>> -> memref<10000x128xf32, #tpu.memory_space<hbm>>
    tpu.wait_indirect_dma semaphore(%arg14 : memref<!tpu.dma_semaphore, #tpu.memory_space<semaphore_mem>>) src(%dma_wait3A_31 : memref<10000x128xf32, #tpu.memory_space<hbm>>) dst(%arg12 : memref<128x128xf32, #tpu.memory_space<vmem>>)
    %lt3A = arith.constant 4 : i32
    %lt3A_32 = arith.cmpi slt, %add3A, %lt3A : i32
    %convert_element_type3A = arith.extui %lt3A_32 : i1 to i32
    %cond3A = arith.constant 0 : i32
    %cond3A_33 = arith.constant 1 : i32
    %cond3A_34 = arith.constant 0 : i32
    %cond3A_35 = arith.cmpi ne, %convert_element_type3A, %cond3A_34 : i32
    scf.if %cond3A_35 {
      %add3A_46 = arith.constant 2496 : i32
      %add3A_47 = arith.addi %add3A_46, %add3A : i32
      "tpu.region"() ({
        %run_scoped3A_54 = tpu.sem_alloc : memref<!tpu.dma_semaphore, #tpu.memory_space<semaphore_mem>>
        %dma_start3A_55 = arith.constant 0 : i32
        %dma_start3A_56 = arith.constant 0 : i32
        %dma_start3A_57 = tpu.memref_slice %arg3[%cond3A, %dma_start3A_55, %dma_start3A_56] : memref<2x2500x128xi32, #tpu.memory_space<hbm>> -> memref<1x2500x128xi32, #tpu.memory_space<hbm>>
        %dma_start3A_58 = tpu.memref_squeeze %dma_start3A_57 : memref<1x2500x128xi32, #tpu.memory_space<hbm>> -> memref<2500x128xi32, #tpu.memory_space<hbm>>
        %dma_start3A_59 = arith.constant 0 : i32
        %dma_start3A_60 = tpu.memref_slice %dma_start3A_58[%add3A_47, %dma_start3A_59] : memref<2500x128xi32, #tpu.memory_space<hbm>> -> memref<1x128xi32, #tpu.memory_space<hbm>>
        %dma_start3A_61 = tpu.memref_squeeze %dma_start3A_60 : memref<1x128xi32, #tpu.memory_space<hbm>> -> memref<128xi32, #tpu.memory_space<hbm>>
        %dma_start3A_62 = arith.constant 0 : i32
        %dma_start3A_63 = arith.constant 0 : i32
        %dma_start3A_64 = tpu.memref_slice %arg3[%cond3A, %dma_start3A_62, %dma_start3A_63] : memref<2x2500x128xi32, #tpu.memory_space<hbm>> -> memref<1x2500x128xi32, #tpu.memory_space<hbm>>
        %dma_start3A_65 = tpu.memref_squeeze %dma_start3A_64 : memref<1x2500x128xi32, #tpu.memory_space<hbm>> -> memref<2500x128xi32, #tpu.memory_space<hbm>>
        %dma_start3A_66 = arith.constant 0 : i32
        %dma_start3A_67 = tpu.memref_slice %dma_start3A_65[%add3A_47, %dma_start3A_66] : memref<2500x128xi32, #tpu.memory_space<hbm>> -> memref<1x128xi32, #tpu.memory_space<hbm>>
        %dma_start3A_68 = tpu.memref_squeeze %dma_start3A_67 : memref<1x128xi32, #tpu.memory_space<hbm>> -> memref<128xi32, #tpu.memory_space<hbm>>
        tpu.enqueue_dma source(%dma_start3A_68 : memref<128xi32, #tpu.memory_space<hbm>>) target(%arg7 : memref<128xi32, #tpu.memory_space<vmem>>) target_semaphore(%run_scoped3A_54 : memref<!tpu.dma_semaphore, #tpu.memory_space<semaphore_mem>>)
        %dma_wait3A_69 = arith.constant 0 : i32
        %dma_wait3A_70 = arith.constant 0 : i32
        %dma_wait3A_71 = tpu.memref_slice %arg3[%cond3A, %dma_wait3A_69, %dma_wait3A_70] : memref<2x2500x128xi32, #tpu.memory_space<hbm>> -> memref<1x2500x128xi32, #tpu.memory_space<hbm>>
        %dma_wait3A_72 = tpu.memref_squeeze %dma_wait3A_71 : memref<1x2500x128xi32, #tpu.memory_space<hbm>> -> memref<2500x128xi32, #tpu.memory_space<hbm>>
        %dma_wait3A_73 = arith.constant 0 : i32
        %dma_wait3A_74 = tpu.memref_slice %dma_wait3A_72[%add3A_47, %dma_wait3A_73] : memref<2500x128xi32, #tpu.memory_space<hbm>> -> memref<1x128xi32, #tpu.memory_space<hbm>>
        %dma_wait3A_75 = tpu.memref_squeeze %dma_wait3A_74 : memref<1x128xi32, #tpu.memory_space<hbm>> -> memref<128xi32, #tpu.memory_space<hbm>>
        %dma_wait3A_76 = arith.constant 0 : i32
        %dma_wait3A_77 = arith.constant 0 : i32
        %dma_wait3A_78 = tpu.memref_slice %arg3[%cond3A, %dma_wait3A_76, %dma_wait3A_77] : memref<2x2500x128xi32, #tpu.memory_space<hbm>> -> memref<1x2500x128xi32, #tpu.memory_space<hbm>>
        %dma_wait3A_79 = tpu.memref_squeeze %dma_wait3A_78 : memref<1x2500x128xi32, #tpu.memory_space<hbm>> -> memref<2500x128xi32, #tpu.memory_space<hbm>>
        %dma_wait3A_80 = arith.constant 0 : i32
        %dma_wait3A_81 = tpu.memref_slice %dma_wait3A_79[%add3A_47, %dma_wait3A_80] : memref<2500x128xi32, #tpu.memory_space<hbm>> -> memref<1x128xi32, #tpu.memory_space<hbm>>
        %dma_wait3A_82 = tpu.memref_squeeze %dma_wait3A_81 : memref<1x128xi32, #tpu.memory_space<hbm>> -> memref<128xi32, #tpu.memory_space<hbm>>
        tpu.wait_dma2 semaphore(%run_scoped3A_54 : memref<!tpu.dma_semaphore, #tpu.memory_space<semaphore_mem>>) src(%dma_wait3A_82 : memref<128xi32, #tpu.memory_space<hbm>>) dst(%arg7 : memref<128xi32, #tpu.memory_space<vmem>>)
        tpu.yield
      }) : () -> ()
      "tpu.region"() ({
        %run_scoped3A_54 = tpu.sem_alloc : memref<!tpu.dma_semaphore, #tpu.memory_space<semaphore_mem>>
        %dma_start3A_55 = arith.constant 0 : i32
        %dma_start3A_56 = arith.constant 0 : i32
        %dma_start3A_57 = tpu.memref_slice %arg3[%cond3A_33, %dma_start3A_55, %dma_start3A_56] : memref<2x2500x128xi32, #tpu.memory_space<hbm>> -> memref<1x2500x128xi32, #tpu.memory_space<hbm>>
        %dma_start3A_58 = tpu.memref_squeeze %dma_start3A_57 : memref<1x2500x128xi32, #tpu.memory_space<hbm>> -> memref<2500x128xi32, #tpu.memory_space<hbm>>
        %dma_start3A_59 = arith.constant 0 : i32
        %dma_start3A_60 = tpu.memref_slice %dma_start3A_58[%add3A_47, %dma_start3A_59] : memref<2500x128xi32, #tpu.memory_space<hbm>> -> memref<1x128xi32, #tpu.memory_space<hbm>>
        %dma_start3A_61 = tpu.memref_squeeze %dma_start3A_60 : memref<1x128xi32, #tpu.memory_space<hbm>> -> memref<128xi32, #tpu.memory_space<hbm>>
        %dma_start3A_62 = arith.constant 0 : i32
        %dma_start3A_63 = arith.constant 0 : i32
        %dma_start3A_64 = tpu.memref_slice %arg3[%cond3A_33, %dma_start3A_62, %dma_start3A_63] : memref<2x2500x128xi32, #tpu.memory_space<hbm>> -> memref<1x2500x128xi32, #tpu.memory_space<hbm>>
        %dma_start3A_65 = tpu.memref_squeeze %dma_start3A_64 : memref<1x2500x128xi32, #tpu.memory_space<hbm>> -> memref<2500x128xi32, #tpu.memory_space<hbm>>
        %dma_start3A_66 = arith.constant 0 : i32
        %dma_start3A_67 = tpu.memref_slice %dma_start3A_65[%add3A_47, %dma_start3A_66] : memref<2500x128xi32, #tpu.memory_space<hbm>> -> memref<1x128xi32, #tpu.memory_space<hbm>>
        %dma_start3A_68 = tpu.memref_squeeze %dma_start3A_67 : memref<1x128xi32, #tpu.memory_space<hbm>> -> memref<128xi32, #tpu.memory_space<hbm>>
        tpu.enqueue_dma source(%dma_start3A_68 : memref<128xi32, #tpu.memory_space<hbm>>) target(%arg9 : memref<128xi32, #tpu.memory_space<vmem>>) target_semaphore(%run_scoped3A_54 : memref<!tpu.dma_semaphore, #tpu.memory_space<semaphore_mem>>)
        %dma_wait3A_69 = arith.constant 0 : i32
        %dma_wait3A_70 = arith.constant 0 : i32
        %dma_wait3A_71 = tpu.memref_slice %arg3[%cond3A_33, %dma_wait3A_69, %dma_wait3A_70] : memref<2x2500x128xi32, #tpu.memory_space<hbm>> -> memref<1x2500x128xi32, #tpu.memory_space<hbm>>
        %dma_wait3A_72 = tpu.memref_squeeze %dma_wait3A_71 : memref<1x2500x128xi32, #tpu.memory_space<hbm>> -> memref<2500x128xi32, #tpu.memory_space<hbm>>
        %dma_wait3A_73 = arith.constant 0 : i32
        %dma_wait3A_74 = tpu.memref_slice %dma_wait3A_72[%add3A_47, %dma_wait3A_73] : memref<2500x128xi32, #tpu.memory_space<hbm>> -> memref<1x128xi32, #tpu.memory_space<hbm>>
        %dma_wait3A_75 = tpu.memref_squeeze %dma_wait3A_74 : memref<1x128xi32, #tpu.memory_space<hbm>> -> memref<128xi32, #tpu.memory_space<hbm>>
        %dma_wait3A_76 = arith.constant 0 : i32
        %dma_wait3A_77 = arith.constant 0 : i32
        %dma_wait3A_78 = tpu.memref_slice %arg3[%cond3A_33, %dma_wait3A_76, %dma_wait3A_77] : memref<2x2500x128xi32, #tpu.memory_space<hbm>> -> memref<1x2500x128xi32, #tpu.memory_space<hbm>>
        %dma_wait3A_79 = tpu.memref_squeeze %dma_wait3A_78 : memref<1x2500x128xi32, #tpu.memory_space<hbm>> -> memref<2500x128xi32, #tpu.memory_space<hbm>>
        %dma_wait3A_80 = arith.constant 0 : i32
        %dma_wait3A_81 = tpu.memref_slice %dma_wait3A_79[%add3A_47, %dma_wait3A_80] : memref<2500x128xi32, #tpu.memory_space<hbm>> -> memref<1x128xi32, #tpu.memory_space<hbm>>
        %dma_wait3A_82 = tpu.memref_squeeze %dma_wait3A_81 : memref<1x128xi32, #tpu.memory_space<hbm>> -> memref<128xi32, #tpu.memory_space<hbm>>
        tpu.wait_dma2 semaphore(%run_scoped3A_54 : memref<!tpu.dma_semaphore, #tpu.memory_space<semaphore_mem>>) src(%dma_wait3A_82 : memref<128xi32, #tpu.memory_space<hbm>>) dst(%arg9 : memref<128xi32, #tpu.memory_space<vmem>>)
        tpu.yield
      }) : () -> ()
      %dma_start3A_48 = arith.constant 0 : i32
      %dma_start3A_49 = arith.constant 0 : i32
      %dma_start3A_50 = tpu.memref_slice %arg2[%dma_start3A_48, %dma_start3A_49] : memref<10000x128xf32, #tpu.memory_space<hbm>> -> memref<10000x128xf32, #tpu.memory_space<hbm>>
      tpu.enqueue_indirect_dma source(%dma_start3A_50 : memref<10000x128xf32, #tpu.memory_space<hbm>>) target(%arg11 : memref<128x128xf32, #tpu.memory_space<vmem>>) offsets(%arg7 : memref<128xi32, #tpu.memory_space<vmem>>) semaphore(%arg13 : memref<!tpu.dma_semaphore, #tpu.memory_space<semaphore_mem>>)
      %dma_wait3A_51 = arith.constant 0 : i32
      %dma_wait3A_52 = arith.constant 0 : i32
      %dma_wait3A_53 = tpu.memref_slice %arg2[%dma_wait3A_51, %dma_wait3A_52] : memref<10000x128xf32, #tpu.memory_space<hbm>> -> memref<10000x128xf32, #tpu.memory_space<hbm>>
      tpu.wait_indirect_dma semaphore(%arg13 : memref<!tpu.dma_semaphore, #tpu.memory_space<semaphore_mem>>) src(%dma_wait3A_53 : memref<10000x128xf32, #tpu.memory_space<hbm>>) dst(%arg11 : memref<128x128xf32, #tpu.memory_space<vmem>>)
      "tpu.region"() ({
        %run_scoped3A_54 = tpu.sem_alloc : memref<!tpu.dma_semaphore, #tpu.memory_space<semaphore_mem>>
        %dma_start3A_55 = arith.constant 0 : i32
        %dma_start3A_56 = arith.constant 0 : i32
        %dma_start3A_57 = tpu.memref_slice %arg6[%dma_start3A_55, %dma_start3A_56] : memref<10240x128xf32, #tpu.memory_space<vmem_shared>> -> memref<10240x128xf32, #tpu.memory_space<vmem_shared>>
        tpu.enqueue_indirect_dma source(%arg11 : memref<128x128xf32, #tpu.memory_space<vmem>>) target(%dma_start3A_57 : memref<10240x128xf32, #tpu.memory_space<vmem_shared>>) offsets(%arg9 : memref<128xi32, #tpu.memory_space<vmem>>) semaphore(%run_scoped3A_54 : memref<!tpu.dma_semaphore, #tpu.memory_space<semaphore_mem>>) {add = true}
        %dma_wait3A_58 = arith.constant 0 : i32
        %dma_wait3A_59 = arith.constant 0 : i32
        %dma_wait3A_60 = tpu.memref_slice %arg6[%dma_wait3A_58, %dma_wait3A_59] : memref<10240x128xf32, #tpu.memory_space<vmem_shared>> -> memref<10240x128xf32, #tpu.memory_space<vmem_shared>>
        tpu.wait_indirect_dma semaphore(%run_scoped3A_54 : memref<!tpu.dma_semaphore, #tpu.memory_space<semaphore_mem>>) src(%arg11 : memref<128x128xf32, #tpu.memory_space<vmem>>) dst(%dma_wait3A_60 : memref<10240x128xf32, #tpu.memory_space<vmem_shared>>)
        tpu.yield
      }) : () -> ()
    } else {
    }
    %barrier3A_36 = arith.constant 0 : index
    tpu.barrier barrier_id(%barrier3A_36)
    %eq3A = arith.constant 0 : i32
    %eq3A_37 = arith.cmpi eq, %arg0, %eq3A : i32
    %convert_element_type3A_38 = arith.extui %eq3A_37 : i1 to i32
    %cond3A_39 = arith.constant 0 : i32
    %cond3A_40 = arith.cmpi ne, %convert_element_type3A_38, %cond3A_39 : i32
    scf.if %cond3A_40 {
      %run_scoped3A_46 = arith.constant 0 : i32
      "tpu.region"() ({
        %run_scoped3A_47 = tpu.sem_alloc : memref<!tpu.dma_semaphore, #tpu.memory_space<semaphore_mem>>
        %dma_start3A_48 = arith.constant 0 : i32
        %dma_start3A_49 = arith.constant 0 : i32
        %dma_start3A_50 = tpu.memref_slice %arg5[%run_scoped3A_46, %dma_start3A_48, %dma_start3A_49] : memref<2x10240x128xf32, #tpu.memory_space<hbm>> -> memref<1x10240x128xf32, #tpu.memory_space<hbm>>
        %dma_start3A_51 = tpu.memref_squeeze %dma_start3A_50 : memref<1x10240x128xf32, #tpu.memory_space<hbm>> -> memref<10240x128xf32, #tpu.memory_space<hbm>>
        %dma_start3A_52 = arith.constant 0 : i32
        %dma_start3A_53 = tpu.memref_slice %dma_start3A_51[%mul3A_2, %dma_start3A_52] : memref<10240x128xf32, #tpu.memory_space<hbm>> -> memref<640x128xf32, #tpu.memory_space<hbm>>
        %dma_start3A_54 = arith.constant 0 : i32
        %dma_start3A_55 = tpu.memref_slice %arg6[%mul3A_2, %dma_start3A_54] : memref<10240x128xf32, #tpu.memory_space<vmem_shared>> -> memref<640x128xf32, #tpu.memory_space<vmem_shared>>
        tpu.enqueue_dma source(%dma_start3A_55 : memref<640x128xf32, #tpu.memory_space<vmem_shared>>) target(%dma_start3A_53 : memref<640x128xf32, #tpu.memory_space<hbm>>) target_semaphore(%run_scoped3A_47 : memref<!tpu.dma_semaphore, #tpu.memory_space<semaphore_mem>>)
        %dma_wait3A_56 = arith.constant 0 : i32
        %dma_wait3A_57 = arith.constant 0 : i32
        %dma_wait3A_58 = tpu.memref_slice %arg5[%run_scoped3A_46, %dma_wait3A_56, %dma_wait3A_57] : memref<2x10240x128xf32, #tpu.memory_space<hbm>> -> memref<1x10240x128xf32, #tpu.memory_space<hbm>>
        %dma_wait3A_59 = tpu.memref_squeeze %dma_wait3A_58 : memref<1x10240x128xf32, #tpu.memory_space<hbm>> -> memref<10240x128xf32, #tpu.memory_space<hbm>>
        %dma_wait3A_60 = arith.constant 0 : i32
        %dma_wait3A_61 = tpu.memref_slice %dma_wait3A_59[%mul3A_2, %dma_wait3A_60] : memref<10240x128xf32, #tpu.memory_space<hbm>> -> memref<640x128xf32, #tpu.memory_space<hbm>>
        %dma_wait3A_62 = arith.constant 0 : i32
        %dma_wait3A_63 = tpu.memref_slice %arg6[%mul3A_2, %dma_wait3A_62] : memref<10240x128xf32, #tpu.memory_space<vmem_shared>> -> memref<640x128xf32, #tpu.memory_space<vmem_shared>>
        tpu.wait_dma2 semaphore(%run_scoped3A_47 : memref<!tpu.dma_semaphore, #tpu.memory_space<semaphore_mem>>) src(%dma_wait3A_63 : memref<640x128xf32, #tpu.memory_space<vmem_shared>>) dst(%dma_wait3A_61 : memref<640x128xf32, #tpu.memory_space<hbm>>)
        tpu.yield
      }) : () -> ()
    } else {
    }
    %eq3A_41 = arith.constant 1 : i32
    %eq3A_42 = arith.cmpi eq, %arg0, %eq3A_41 : i32
    %convert_element_type3A_43 = arith.extui %eq3A_42 : i1 to i32
    %cond3A_44 = arith.constant 0 : i32
    %cond3A_45 = arith.cmpi ne, %convert_element_type3A_43, %cond3A_44 : i32
    scf.if %cond3A_45 {
      %run_scoped3A_46 = arith.constant 1 : i32
      "tpu.region"() ({
        %run_scoped3A_47 = tpu.sem_alloc : memref<!tpu.dma_semaphore, #tpu.memory_space<semaphore_mem>>
        %dma_start3A_48 = arith.constant 0 : i32
        %dma_start3A_49 = arith.constant 0 : i32
        %dma_start3A_50 = tpu.memref_slice %arg5[%run_scoped3A_46, %dma_start3A_48, %dma_start3A_49] : memref<2x10240x128xf32, #tpu.memory_space<hbm>> -> memref<1x10240x128xf32, #tpu.memory_space<hbm>>
        %dma_start3A_51 = tpu.memref_squeeze %dma_start3A_50 : memref<1x10240x128xf32, #tpu.memory_space<hbm>> -> memref<10240x128xf32, #tpu.memory_space<hbm>>
        %dma_start3A_52 = arith.constant 0 : i32
        %dma_start3A_53 = tpu.memref_slice %dma_start3A_51[%mul3A_2, %dma_start3A_52] : memref<10240x128xf32, #tpu.memory_space<hbm>> -> memref<640x128xf32, #tpu.memory_space<hbm>>
        %dma_start3A_54 = arith.constant 0 : i32
        %dma_start3A_55 = tpu.memref_slice %arg6[%mul3A_2, %dma_start3A_54] : memref<10240x128xf32, #tpu.memory_space<vmem_shared>> -> memref<640x128xf32, #tpu.memory_space<vmem_shared>>
        tpu.enqueue_dma source(%dma_start3A_55 : memref<640x128xf32, #tpu.memory_space<vmem_shared>>) target(%dma_start3A_53 : memref<640x128xf32, #tpu.memory_space<hbm>>) target_semaphore(%run_scoped3A_47 : memref<!tpu.dma_semaphore, #tpu.memory_space<semaphore_mem>>)
        %dma_wait3A_56 = arith.constant 0 : i32
        %dma_wait3A_57 = arith.constant 0 : i32
        %dma_wait3A_58 = tpu.memref_slice %arg5[%run_scoped3A_46, %dma_wait3A_56, %dma_wait3A_57] : memref<2x10240x128xf32, #tpu.memory_space<hbm>> -> memref<1x10240x128xf32, #tpu.memory_space<hbm>>
        %dma_wait3A_59 = tpu.memref_squeeze %dma_wait3A_58 : memref<1x10240x128xf32, #tpu.memory_space<hbm>> -> memref<10240x128xf32, #tpu.memory_space<hbm>>
        %dma_wait3A_60 = arith.constant 0 : i32
        %dma_wait3A_61 = tpu.memref_slice %dma_wait3A_59[%mul3A_2, %dma_wait3A_60] : memref<10240x128xf32, #tpu.memory_space<hbm>> -> memref<640x128xf32, #tpu.memory_space<hbm>>
        %dma_wait3A_62 = arith.constant 0 : i32
        %dma_wait3A_63 = tpu.memref_slice %arg6[%mul3A_2, %dma_wait3A_62] : memref<10240x128xf32, #tpu.memory_space<vmem_shared>> -> memref<640x128xf32, #tpu.memory_space<vmem_shared>>
        tpu.wait_dma2 semaphore(%run_scoped3A_47 : memref<!tpu.dma_semaphore, #tpu.memory_space<semaphore_mem>>) src(%dma_wait3A_63 : memref<640x128xf32, #tpu.memory_space<vmem_shared>>) dst(%dma_wait3A_61 : memref<640x128xf32, #tpu.memory_space<hbm>>)
        tpu.yield
      }) : () -> ()
    } else {
    }
    return
  }
}

module attributes {stable_mosaic.version = 14 : i64} {
  func.func @_mm_body(%arg0: i32, %arg1: memref<1000x128xf32, #tpu.memory_space<vmem>>, %arg2: memref<128x128xf32, #tpu.memory_space<vmem>>, %arg3: memref<1000x1xf32, #tpu.memory_space<vmem>>, %arg4: memref<1000x128xf32, #tpu.memory_space<vmem>>) attributes {dimension_semantics = [#tpu.dimension_semantics<arbitrary>], iteration_bounds = array<i64: 10>, scalar_prefetch = 0 : i64, scratch_operands = 0 : i64, tpu.core_type = #tpu.core_type<tc>, window_params = [{transform_indices = @transform_0, window_bounds = array<i64: 1000, 128>}, {pipeline_mode = #tpu.pipeline_mode<synchronous>, transform_indices = @transform_1, window_bounds = array<i64: 128, 128>}, {transform_indices = @transform_2, window_bounds = array<i64: 1000, 1>}, {transform_indices = @transform_3, window_bounds = array<i64: 1000, 128>}]} {
    %get3A = arith.constant 0 : index
    %get3A_0 = arith.constant 0 : index
    %get3A_1 = vector.load %arg1[%get3A, %get3A_0] : memref<1000x128xf32, #tpu.memory_space<vmem>>, vector<1000x128xf32>
    %get3A_2 = arith.constant 0 : index
    %get3A_3 = arith.constant 0 : index
    %get3A_4 = vector.load %arg2[%get3A_2, %get3A_3] : memref<128x128xf32, #tpu.memory_space<vmem>>, vector<128x128xf32>
    %dot_general3A = arith.constant dense<0.000000e+00> : vector<1000x128xf32>
    %dot_general3A_5 = tpu.matmul %get3A_1, %get3A_4, %dot_general3A {dimension_numbers = #tpu.dot_dimension_numbers<[1], [0], [0], [1], [0, 0, 1, 1], [], []>, transpose_lhs_hint = false} : vector<1000x128xf32>, vector<128x128xf32>, vector<1000x128xf32> -> vector<1000x128xf32>
    %get3A_6 = arith.constant 0 : index
    %get3A_7 = arith.constant 0 : index
    %get3A_8 = vector.load %arg3[%get3A_6, %get3A_7] : memref<1000x1xf32, #tpu.memory_space<vmem>>, vector<1000x1xf32>
    %mul3A = vector.broadcast %get3A_8 : vector<1000x1xf32> to vector<1000x128xf32>
    %mul3A_9 = arith.mulf %dot_general3A_5, %mul3A : vector<1000x128xf32>
    %swap3A = arith.constant 0 : index
    %swap3A_10 = arith.constant 0 : index
    %swap3A_11 = vector.load %arg4[%swap3A, %swap3A_10] : memref<1000x128xf32, #tpu.memory_space<vmem>>, vector<1000x128xf32>
    tpu.vector_store %arg4[%swap3A, %swap3A_10], %mul3A_9 {strides = array<i32>} : memref<1000x128xf32, #tpu.memory_space<vmem>>, vector<1000x128xf32>,
    return
  }
  func.func @transform_0(%arg0: i32) -> (i32, i32) {
    %c0_i32 = arith.constant 0 : i32
    %c0_i32_0 = arith.constant 0 : i32
    return %arg0, %c0_i32 : i32, i32
  }
  func.func @transform_1(%arg0: i32) -> (i32, i32) {
    %c0_i32 = arith.constant 0 : i32
    %c0_i32_0 = arith.constant 0 : i32
    %c0_i32_1 = arith.constant 0 : i32
    return %c0_i32, %c0_i32_0 : i32, i32
  }
  func.func @transform_2(%arg0: i32) -> (i32, i32) {
    %c0_i32 = arith.constant 0 : i32
    %c0_i32_0 = arith.constant 0 : i32
    return %arg0, %c0_i32 : i32, i32
  }
  func.func @transform_3(%arg0: i32) -> (i32, i32) {
    %c0_i32 = arith.constant 0 : i32
    %c0_i32_0 = arith.constant 0 : i32
    return %arg0, %c0_i32 : i32, i32
  }
}

module attributes {stable_mosaic.version = 14 : i64} {
  func.func @_post_body(%arg0: i32, %arg1: memref<2x1000x128xf32, #tpu.memory_space<vmem>>, %arg2: memref<1000x1xf32, #tpu.memory_space<vmem>>, %arg3: memref<1x128xf32, #tpu.memory_space<vmem>>, %arg4: memref<1000x128xf32, #tpu.memory_space<vmem>>) attributes {dimension_semantics = [#tpu.dimension_semantics<arbitrary>], iteration_bounds = array<i64: 10>, scalar_prefetch = 0 : i64, scratch_operands = 0 : i64, tpu.core_type = #tpu.core_type<tc>, window_params = [{transform_indices = @transform_0, window_bounds = array<i64: 2, 1000, 128>}, {transform_indices = @transform_1, window_bounds = array<i64: 1000, 1>}, {pipeline_mode = #tpu.pipeline_mode<synchronous>, transform_indices = @transform_2, window_bounds = array<i64: 1, 128>}, {transform_indices = @transform_3, window_bounds = array<i64: 1000, 128>}]} {
    %get3A = arith.constant 0 : index
    %get3A_0 = arith.constant 0 : index
    %get3A_1 = arith.constant 0 : index
    %get3A_2 = vector.load %arg1[%get3A, %get3A_0, %get3A_1] : memref<2x1000x128xf32, #tpu.memory_space<vmem>>, vector<1x1000x128xf32>
    %get3A_3 = vector.shape_cast %get3A_2 : vector<1x1000x128xf32> to vector<1000x128xf32>
    %get3A_4 = arith.constant 1 : index
    %get3A_5 = arith.constant 0 : index
    %get3A_6 = arith.constant 0 : index
    %get3A_7 = vector.load %arg1[%get3A_4, %get3A_5, %get3A_6] : memref<2x1000x128xf32, #tpu.memory_space<vmem>>, vector<1x1000x128xf32>
    %get3A_8 = vector.shape_cast %get3A_7 : vector<1x1000x128xf32> to vector<1000x128xf32>
    %add3A = arith.addf %get3A_3, %get3A_8 : vector<1000x128xf32>
    %get3A_9 = arith.constant 0 : index
    %get3A_10 = arith.constant 0 : index
    %get3A_11 = vector.load %arg2[%get3A_9, %get3A_10] : memref<1000x1xf32, #tpu.memory_space<vmem>>, vector<1000x1xf32>
    %mul3A = vector.broadcast %get3A_11 : vector<1000x1xf32> to vector<1000x128xf32>
    %mul3A_12 = arith.mulf %add3A, %mul3A : vector<1000x128xf32>
    %get3A_13 = arith.constant 0 : index
    %get3A_14 = arith.constant 0 : index
    %get3A_15 = vector.load %arg3[%get3A_13, %get3A_14] : memref<1x128xf32, #tpu.memory_space<vmem>>, vector<1x128xf32>
    %add3A_16 = vector.broadcast %get3A_15 : vector<1x128xf32> to vector<1000x128xf32>
    %add3A_17 = arith.addf %mul3A_12, %add3A_16 : vector<1000x128xf32>
    %max3A = arith.constant 0.000000e+00 : f32
    %max3A_18 = vector.broadcast %max3A : f32 to vector<1000x128xf32>
    %max3A_19 = arith.maximumf %add3A_17, %max3A_18 : vector<1000x128xf32>
    %swap3A = arith.constant 0 : index
    %swap3A_20 = arith.constant 0 : index
    %swap3A_21 = vector.load %arg4[%swap3A, %swap3A_20] : memref<1000x128xf32, #tpu.memory_space<vmem>>, vector<1000x128xf32>
    tpu.vector_store %arg4[%swap3A, %swap3A_20], %max3A_19 {strides = array<i32>} : memref<1000x128xf32, #tpu.memory_space<vmem>>, vector<1000x128xf32>,
    return
  }
  func.func @transform_0(%arg0: i32) -> (i32, i32, i32) {
    %c0_i32 = arith.constant 0 : i32
    %c0_i32_0 = arith.constant 0 : i32
    %c0_i32_1 = arith.constant 0 : i32
    return %c0_i32, %arg0, %c0_i32_0 : i32, i32, i32
  }
  func.func @transform_1(%arg0: i32) -> (i32, i32) {
    %c0_i32 = arith.constant 0 : i32
    %c0_i32_0 = arith.constant 0 : i32
    return %arg0, %c0_i32 : i32, i32
  }
  func.func @transform_2(%arg0: i32) -> (i32, i32) {
    %c0_i32 = arith.constant 0 : i32
    %c0_i32_0 = arith.constant 0 : i32
    %c0_i32_1 = arith.constant 0 : i32
    return %c0_i32, %c0_i32_0 : i32, i32
  }
  func.func @transform_3(%arg0: i32) -> (i32, i32) {
    %c0_i32 = arith.constant 0 : i32
    %c0_i32_0 = arith.constant 0 : i32
    return %arg0, %c0_i32 : i32, i32
  }
}

</mosaic_0001>

<sc_bundles>
// kernel: kernel.5.cloned.1.call-start
scs
__scs_entry_jumppad:
0x0: {  	(pc) =	sbr.rel $0x88, $3  }
0x1: {  	(tag) =	ssettag $0x0;
	lr =	simm.s32 $0x1  }
0x2: {  	[smem:$0x3F9C] =	sst lr;
	_ =	strace $0xD0000000  }
0x3: {  	_ = 	snop  }
0x4: {  	_ = 	snop  }
0x5: {  	_ = 	snop  }
0x6: {  	_ = 	snop  }
0x7: {  	_ = 	snop  }
__scs_overlays_trampoline_lowered:
0x8: {  	[smem:$0x3FAB] =	sst s0  }
0x9: {  	[smem:$0x3FAC] =	sst s1  }
0xa: {  	[smem:$0x3FAD] =	sst s2  }
0xb: {  	[smem:$0x3FAE] =	sst s3  }
0xc: {  	[smem:$0x3FAF] =	sst s4  }
0xd: {  	[smem:$0x3FB0] =	sst s5  }
0xe: {  	[smem:$0x3FB1] =	sst s6  }
0xf: {  	[smem:$0x3FB2] =	sst s7  }
0x10: {  	[smem:$0x3FB3] =	sst s8  }
0x11: {  	[smem:$0x3FB4] =	sst s9;
	s0 =	simm.s32 @!p0 $0x0  }
0x12: {  	s1 =	sld [smem:$0x3F9A];
	s0 =	simm.s32 @p0 $0x1  }
0x13: {  	[smem:$0x3FB5] =	sst s0;
	s0 =	simm.s32 @!p1 $0x0  }
0x14: {  	s2 =	sld [smem:$0x3F99];
	s0 =	simm.s32 @p1 $0x1  }
0x15: {  	[smem:$0x3FB6] =	sst s0;
	s0 =	simm.s32 @!p2 $0x0  }
0x16: {  	s3 =	sld [smem:$0x3FDB];
	s0 =	simm.s32 @p2 $0x1  }
0x17: {  	s4 =	simm.s32 $0x1BF5;
	[smem:$0x3FB8] =	sst s0  }
0x18: {  	s0 =	sld [smem:$0x3F9B];
	_ =	swait.ge [sflag:s4], $0x0  }
0x19: {  	s7 =	sld [smem:$0x3F9C]  }
0x1a: {  	s8 =	sadd.s32 $0xFFFFE003, lr  }
0x1b: {  	s9 =	sadd.s32 $0xFFFFFEF7, lr;
	s5 =	simm.s32 $0xFFFFFFFF;
	p2 =	slt.u32 s8, $0xFFFFF086  }
0x1c: {  	p1 =	slt.u32 s9, $0xF7A;
	s5 =	simm.s32 @!p2 $0x0  }
0x1d: {  	s5 =	simm.s32 @p1 $0x1;
	p0 =	seq.s32 s7, s2  }
0x1e: {  	s7 =	smul.u32 @!p0 $0xF7A, s2;
	p2 =	seq.s32 @!p0 s5, $0x0  }
0x1f: {  	s9 =	smul.u32 $0xF7A, s1;
	s8 =	simm.s32 @!p0 $0x1BF5;
	p2 =	por !p2, p0  }
0x20: {  	[sflag:s8] =	ssyncset.s32 @!p0 $0xFFFFF086;
	s6 =	sadd.s32 @!p0 s3, s7;
	s7 =	simm.s32 @!p0 $0x108  }
0x21: {  	s3 =	sadd.s32 s3, s9;
	s6 =	sadd.s32 @!p0 $0x88, s6;
	s7 =	simm.s32 @p2 $0x1082  }
0x22: {  	[simem:s7], [sflag:s8] =	dma.local @!p0 [hbm:s6], $0xF7A  }
0x23: {  	s9 =	sor.u32 $0xD0000000, s2;
	s6 =	simm.s32 $0x108;
	_ =	swait.ge @!p0 [sflag:s8], $0x0  }
0x24: {  	s3 =	sadd.s32 $0x88, s3;
	s6 =	simm.s32 @!p1 $0x1082;
	[sflag:s4] =	ssyncset.s32 $0xFFFFF086  }
0x25: {  	[simem:s6], [sflag:s4] =	dma.local [hbm:s3], $0xF7A  }
0x26: {  	[smem:$0x3F9C] =	sst s1;
	(tag) =	ssettag s2;
	_ =	strace s9  }
0x27: {  	s1 =	sld [smem:$0x3FAC]  }
0x28: {  	s2 =	sld [smem:$0x3FAD]  }
0x29: {  	s4 =	sld [smem:$0x3FAF]  }
0x2a: {  	p0 =	seq.s32 s5, $0x0;
	s5 =	sld [smem:$0x3FB0]  }
0x2b: {  	s6 =	sld [smem:$0x3FB1]  }
0x2c: {  	s7 =	sld [smem:$0x3FB2]  }
0x2d: {  	s3 =	simm.s32 $0x108;
	s8 =	sld [smem:$0x3FB3]  }
0x2e: {  	s3 =	simm.s32 @!p0 $0x1082;
	s9 =	sld [smem:$0x3FB4]  }
0x2f: {  	lr =	sadd.s32 s0, s3;
	s0 =	sld [smem:$0x3FAB]  }
0x30: {  	s3 =	sld [smem:$0x3FAE]  }
0x31: {  	[smem:$0x3FB7] =	sst s10  }
0x32: {  	s10 =	sld [smem:$0x3FB5];
	_ =	sdelay $0x3  }
0x33: {  	p0 =	seq.s32 s10, $0x1;
	s10 =	sld [smem:$0x3FB7];
	_ =	sdelay $0x3  }
0x34: {  	[smem:$0x3FB7] =	sst s10  }
0x35: {  	s10 =	sld [smem:$0x3FB6];
	_ =	sdelay $0x3  }
0x36: {  	p1 =	seq.s32 s10, $0x1;
	s10 =	sld [smem:$0x3FB7];
	_ =	sdelay $0x3  }
0x37: {  	[smem:$0x3FB7] =	sst s10  }
0x38: {  	s10 =	sld [smem:$0x3FB8]  }
0x39: {  	_ = 	snop;
	(pc) =	sbr.ind lr, $3  }
0x3a: {  	_ = 	snop  }
0x3b: {  	_ = 	snop  }
0x3c: {  	p2 =	seq.s32 s10, $0x1;
	s10 =	sld [smem:$0x3FB7]  }
0x3d: {  	_ =	shalt  }
0x3e: {  	_ =	shalt  }
0x3f: {  	_ =	shalt  }
0x40: {  	_ =	shalt  }
0x41: {  	_ =	shalt  }
0x42: {  	_ =	shalt  }
0x43: {  	_ =	shalt  }
0x44: {  	_ =	shalt  }
0x45: {  	_ =	shalt  }
0x46: {  	_ =	shalt  }
0x47: {  	_ =	shalt  }
0x48: {  	_ =	shalt  }
0x49: {  	_ =	shalt  }
0x4a: {  	_ =	shalt  }
0x4b: {  	_ =	shalt  }
0x4c: {  	_ =	shalt  }
0x4d: {  	_ =	shalt  }
0x4e: {  	_ =	shalt  }
0x4f: {  	_ =	shalt  }
0x50: {  	_ =	shalt  }
0x51: {  	_ =	shalt  }
0x52: {  	_ =	shalt  }
0x53: {  	_ =	shalt  }
0x54: {  	_ =	shalt  }
0x55: {  	_ =	shalt  }
0x56: {  	_ =	shalt  }
0x57: {  	_ =	shalt  }
0x58: {  	_ =	shalt  }
0x59: {  	_ =	shalt  }
0x5a: {  	_ =	shalt  }
0x5b: {  	_ =	shalt  }
0x5c: {  	_ =	shalt  }
0x5d: {  	_ =	shalt  }
0x5e: {  	_ =	shalt  }
0x5f: {  	_ =	shalt  }
0x60: {  	_ =	shalt  }
0x61: {  	_ =	shalt  }
0x62: {  	_ =	shalt  }
0x63: {  	_ =	shalt  }
0x64: {  	_ =	shalt  }
0x65: {  	_ =	shalt  }
0x66: {  	_ =	shalt  }
0x67: {  	_ =	shalt  }
0x68: {  	_ =	shalt  }
0x69: {  	_ =	shalt  }
0x6a: {  	_ =	shalt  }
0x6b: {  	_ =	shalt  }
0x6c: {  	_ =	shalt  }
0x6d: {  	_ =	shalt  }
0x6e: {  	_ =	shalt  }
0x6f: {  	_ =	shalt  }
0x70: {  	_ =	shalt  }
0x71: {  	_ =	shalt  }
0x72: {  	_ =	shalt  }
0x73: {  	_ =	shalt  }
0x74: {  	_ =	shalt  }
0x75: {  	_ =	shalt  }
0x76: {  	_ =	shalt  }
0x77: {  	_ =	shalt  }
0x78: {  	_ =	shalt  }
0x79: {  	_ =	shalt  }
0x7a: {  	_ =	shalt  }
0x7b: {  	_ =	shalt  }
0x7c: {  	_ =	shalt  }
0x7d: {  	_ =	shalt  }
0x7e: {  	_ =	shalt  }
0x7f: {  	_ =	shalt  }
0x80: {  	_ =	shalt  }
0x81: {  	_ =	shalt  }
0x82: {  	_ =	shalt  }
0x83: {  	_ =	shalt  }
0x84: {  	_ =	shalt  }
0x85: {  	_ =	shalt  }
0x86: {  	_ =	shalt  }
0x87: {  	_ =	shalt  }
.Lfunc_end0:
.L_simem_size_0:
called_computation_lowered:
.L_overlay_start_0:
0x88: {  	s2 =	sld [smem:$0x3FD9]  }
0x89: {  	s3 =	sld [smem:$0x3FFE];
	_ =	sdelay $0x1  }
0x8a: {  	s1 =	srdreg.scid  }
0x8b: {  	s0 =	sand.u32 $0x1, s1  }
0x8c: {  	s17 =	sshll.u32 s0, $0xA;
	s2 =	sadd.s32 s3, s2  }
0x8d: {  	s2 =	sadd.s32 s2, s17  }
0x8e: {  	[smem:$0x3FC3] =	sst s2  }
0x8f: {  	_ = 	snop  }
0x90: {  	s2 =	sld [smem:$0x3FD0];
	(tm) =	ssettm $0x1  }
0x91: {  	s18 =	sld [smem:$0x3FFB];
	_ =	sdelay $0x3  }
0x92: {  	_ =	strace s18  }
0x93: {  	s3 =	sld [smem:$0x3FFC];
	_ =	sdelay $0x3  }
0x94: {  	_ =	strace s3  }
0x95: {  	s3 =	sld [smem:$0x3FFD];
	_ =	sdelay $0x3  }
0x96: {  	_ =	strace s3  }
0x97: {  	_ =	strace $0x8FFFFFFF  }
0x98: {  	s19 =	sld [smem:$0x3FDB];
	_ =	sdelay $0x1  }
0x99: {  	s4 =	simm.s32 $_scs_section_size  }
0x9a: {  	s5 =	simm.s32 $_size__tile_overlayer_lowered;
	s6 =	simm.s32 $_tile_overlayer_lowered  }
0x9b: {  	s22 =	simm.s32 $0x1BFF;
	s21 =	sshll.u32 s6, $0x1;
	s3 =	sadd.s32 s4, s19  }
0x9c: {  	s7 =	simm.s32 $0x0;
	s20 =	sshll.u32 s5, $0x1;
	s5 =	sadd.s32 s21, s3  }
0x9d: {  	[timem:s7], [sflag:s22] =	dma.local [hbm:s5], s20  }
0x9e: {  	_ =	swait.ge [sflag:s22], s20  }
0x9f: {  	s4 =	ssub.s32 $0x0, s20;
	[sflag:s22] =	ssyncset.done $0x0  }
0xa0: {  	[sflag:s22] =	ssyncadd.s32 s4;
	_ =	sdelay $0x1  }
0xa1: {  	s23 =	simm.s32 $0x1B8B  }
0xa2: {  	_ =	swait.ge [sflag:s23], $0x1  }
0xa3: {  	[sflag:s23] =	ssyncset.done $0x0  }
0xa4: {  	s25 =	simm.s32 $0x1B8E;
	s24 =	sld [smem:$0x3FFE];
	[sflag:s23] =	ssyncadd.s32 $0xFFFFFFFF  }
0xa5: {  	s26 =	simm.s32 $execute0_lowered;
	[smem:$0x3FD2] =	sst s25  }
0xa6: {  	s5 =	sshll.u32 s26, $0x1;
	_ =	strace $0x80000046;
	[dreg:$0x1] =	wrdreg $0xFFFFFFFF  }
0xa7: {  	s28 =	simm.s32 $_size_execute0_lowered;
	s3 =	sadd.s32 s3, s5;
	[dreg:$0x0] =	wrdreg $0x0  }
0xa8: {  	s5 =	sshll.u32 s28, $0x1;
	[dreg:$0x2] =	wrdreg s3  }
0xa9: {  	[dreg:$0x3] =	wrdreg s5  }
0xaa: {  	[dreg:$0x4] =	wrdreg $0xC0  }
0xab: {  	_ =	task [dreg:s7], $0x5FFFF  }
0xac: {  	[dreg:$0x1] =	wrdreg $0xFFFFFFFF  }
0xad: {  	[dreg:$0x0] =	wrdreg $0x60  }
0xae: {  	[dreg:$0x2] =	wrdreg s2  }
0xaf: {  	[dreg:$0x3] =	wrdreg s24  }
0xb0: {  	[dreg:$0x4] =	wrdreg $0x0  }
0xb1: {  	[dreg:$0x5] =	wrdreg $0x9  }
0xb2: {  	_ =	task.clear_ibuf [dreg:s7], $0x6FFFF;
	_ =	strace $0x90000046  }
0xb3: {  	s29 =	simm.s32 $0x9;
	_ =	strace $0x80000048  }
0xb4: {  	_ =	swait.ge [sflag:s29], $0x1  }
0xb5: {  	[sflag:s29] =	ssyncadd.s32 $0xFFFFFFFF  }
0xb6: {  	_ =	strace $0x90000048  }
0xb7: {  	_ =	sfence  }
0xb8: {  	s30 =	sld [smem:$0x0];
	_ =	sdelay $0x2  }
0xb9: {  	s31 =	sshll.u32 s1, $0xD;
	s1 =	sshrl.u32 s1, $0x2  }
0xba: {  	s3 =	sand.u32 $0x4000, s31;
	s1 =	sadd.s32 s1, s30  }
0xbb: {  	s0 =	sor.u32 s3, s0;
	s1 =	sshll.u32 s1, $0x11  }
0xbc: {  	s0 =	sor.u32 s1, s0  }
0xbd: {  	s0 =	sadd.s32 $0x8F2B, s0  }
0xbe: {  	[sflag:s0] =	ssyncadd.remote.s32 $0x1  }
0xbf: {  	_ =	sfence.sel $0xFFFF  }
0xc0: {  	[dreg:$0x0] =	wrdreg $0xFFFFFFFF;
	(pc) =	sbr.abs _section_cstart, $3  }
0xc1: {  	[dreg:$0x1] =	wrdreg $0xFFFFFFFF  }
0xc2: {  	_ =	task.clear_ibuf [dreg:s7], $0x2FFFF;
	_ =	strace $0x9FFFFFFF  }
0xc3: {  	(tm) =	ssettm $0x7FFFFFFF  }
tec
execute0_lowered:
.L_overlay_start_1:
0x0: {  	(tag) =	ssettag $0x1  }
0x1: {  	s1 =	rddreg [dreg:$0x0]  }
0x2: {  	s0 =	rddreg [dreg:$0x1]  }
0x3: {  	s3 =	rddreg [dreg:$0x2]  }
0x4: {  	s4 =	simm.s32 $0x0;
	s26 =	stileid.u32;
	s2 =	srdreg.scid  }
0x5: {  	s28 =	simm.s32 $0x18200;
	s29 =	simm.s32 $0x1;
	s30 =	simm.s32 $0x2  }
0x6: {  	s31 =	simm.s32 $0x0;
	s24 =	smul.u32 $0x2800, s26;
	s2 =	sand.u32 $0x1, s2  }
0x7: {  	s5 =	sshll.u32 s26, $0x1;
	[smem:$0x7FF] =	sst s4;
	s6 =	smul.u32 $0x50000, s26  }
0x8: {  	s20 =	sshll.u32 s26, $0x6;
	s11 =	sadd.s32 $0xAC80, s0;
	s14 =	sor.u32 s2, s5  }
0x9: {  	_ =	strace $0x80000047;
	s7 =	ssub.s32 $0x2, s2;
	s5 =	sadd.s32 $0x1000, s0  }
0xa: {  	p0 =	seq.s32 s2, $0x1;
	s8 =	smul.u32 $0x2700, s14;
	s9 =	sshrl.u32 s7, $0x1  }
0xb: {  	s10 =	smul.u32 $0x300, s14;
	s16 =	sadd.s32 s24, s0;
	s6 =	sshrl.u32 s6, $0x2  }
0xc: {  	s21 =	smul.u32 $0x4E, s14;
	s14 =	sshll.u32 s14, $0x4;
	s0 =	sadd.s32 $0x64A00, s0  }
0xd: {  	s17 =	ssub.s32 s7, s9;
	s19 =	sadd.s32 s6, s3;
	s22 =	sadd.s32 $0x14A00, s16  }
0xe: {  	s7 =	sor.u32 $0x1C03, s20;
	s14 =	sor.u32 $0x9C00, s14;
	s20 =	smul.u32 $0x4E, s2  }
0xf: {  	s16 =	sadd.s32 $0x3CA00, s16;
	s0 =	sadd.s32 @p0 s24, s0;
	s24 =	simm.s32 $0x14200  }
0x10: {  	s15 =	sand.u32 $0x7FC00, s8;
	s18 =	sand.u32 $0x300, s10;
	[dreg:$0x4] =	wrdreg s22  }
0x11: {  	s13 =	sadd.s32 $0x4D, s21;
	s17 =	smax.u32 s17, $0x1;
	s19 =	sshrl.u32 s19, $0x3  }
0x12: {  	s21 =	simm.s32 $0x14000;
	s22 =	simm.s32 $0x14100;
	s16 =	smov.u32 @p0 s0  }
0x13: {  	p0 =	sgt.u32 s26, $0x1;
	s10 =	sor.u32 s18, s15;
	s18 =	smul.u32 $0x9C, s26  }
0x14: {  	s15 =	sadd.s32 s5, s14;
	s26 =	simm.s32 $0x14180;
	s8 =	sshrl.u32 s10, $0x3  }
0x15: {  	s23 =	sadd.s32 s5, s8;
	s12 =	sor.u32 $0x10, s8;
	s18 =	sadd.s32 s20, s18  }
0x16: {  	s20 =	simm.s32 $0x3;
	[dreg:$0x5] =	wrdreg s23;
	s25 =	sadd.s32 s5, s12  }
0x17: {  	s23 =	simm.s32 $0x80;
	[dreg:$0x6] =	wrdreg s25;
	s25 =	simm.s32 $0x14080  }
.LBB2_1:
0x18: {  	s0 =	rddreg [dreg:$0x4]  }
0x19: {  	[spmem:s19], [sflag:s7] =	dma.local [hbm:s0], $0x2800  }
0x1a: {  	_ =	swait.ge [sflag:s20], $0x2800  }
0x1b: {  	[sflag:s20] =	ssyncset.done $0x0  }
0x1c: {  	[sflag:s20] =	ssyncadd.s32 $0xFFFFD800  }
0x1d: {  	[bflag:$0x0] =	sbarrier.arrive $0xFFFF  }
0x1e: {  	s10 =	rddreg [dreg:$0x5]  }
0x1f: {  	[tilespmem:s21], [sflag:$0x3] =	stream.linear.gather [hbm4b:s10+s4], $0x80, $0x38;
	[tilespmem:$0x1C200] =	vst v63  }
0x20: {  	_ =	swait.ge [sflag:s20], $0x80  }
0x21: {  	[sflag:s20] =	ssyncset.done $0x0  }
0x22: {  	s2 =	sadd.s32 s8, s11;
	[sflag:s20] =	ssyncadd.s32 $0xFFFFFF80  }
0x23: {  	[tilespmem:s22], [sflag:$0x3] =	stream.linear.gather [hbm4b:s2+s4], $0x80, $0x38;
	[tilespmem:$0x1C200] =	vst v63  }
0x24: {  	_ =	swait.ge [sflag:s20], $0x80  }
0x25: {  	[sflag:s20] =	ssyncset.done $0x0  }
0x26: {  	[sflag:s20] =	ssyncadd.s32 $0xFFFFFF80  }
0x27: {  	[tilespmem:s24], [sflag:$0x1] =	stream.indirect.gather [hbm4b:s1+s23], $0x80, s21, s23, $0xb8;
	[tilespmem:$0x1C200] =	vst v63  }
0x28: {  	s6 =	rddreg [dreg:$0x6]  }
0x29: {  	[tilespmem:s25], [sflag:$0x3] =	stream.linear.gather [hbm4b:s6+s4], $0x80, $0x38;
	[tilespmem:$0x1C200] =	vst v63  }
0x2a: {  	_ =	swait.ge [sflag:s20], $0x80  }
0x2b: {  	[sflag:s20] =	ssyncset.done $0x0  }
0x2c: {  	s9 =	sadd.s32 s12, s11;
	[sflag:s20] =	ssyncadd.s32 $0xFFFFFF80  }
0x2d: {  	[tilespmem:s26], [sflag:$0x3] =	stream.linear.gather [hbm4b:s9+s4], $0x80, $0x38;
	[tilespmem:$0x1C200] =	vst v63  }
0x2e: {  	_ =	swait.ge [sflag:s20], $0x80  }
0x2f: {  	[sflag:s20] =	ssyncset.done $0x0  }
0x30: {  	s10 =	sadd.s32 $0xFFFFFFB2, s18;
	[sflag:s20] =	ssyncadd.s32 $0xFFFFFF80  }
0x31: {  	[tilespmem:s28], [sflag:$0x2] =	stream.indirect.gather [hbm4b:s1+s23], $0x80, s25, s23, $0xb8;
	[tilespmem:$0x1C200] =	vst v63  }
0x32: {  	s2 =	sadd.s32 $0x50, s10;
	_ =	swait.ge [sflag:s29], $0x4000  }
0x33: {  	p1 =	slt.s32 s2, s13;
	s6 =	smov.u32 s13;
	[sflag:s29] =	ssyncset.done $0x0  }
0x34: {  	s6 =	smov.u32 @p1 s2;
	[sflag:s29] =	ssyncadd.s32 $0xFFFFC000  }
0x35: {  	[spmem:s3] =	stream.indirect.scatter.add.f32 [tilespmem:s24], [sflag:$0x3], $0x80, s22, s23, $0xb8;
	[tilespmem:$0x1C200] =	vst v63  }
0x36: {  	s2 =	sshll.u32 s6, $0x4;
	_ =	swait.ge [sflag:s20], $0x4000  }
0x37: {  	s2 =	sand.u32 $0xFFFFFF0, s2;
	[sflag:s20] =	ssyncset.done $0x0  }
0x38: {  	s9 =	sadd.s32 s5, s2;
	[sflag:s20] =	ssyncadd.s32 $0xFFFFC000  }
0x39: {  	[tilespmem:s21], [sflag:$0x3] =	stream.linear.gather [hbm4b:s9+s4], $0x80, $0x38;
	[tilespmem:$0x1C200] =	vst v63  }
0x3a: {  	_ =	swait.ge [sflag:s20], $0x80  }
0x3b: {  	[sflag:s20] =	ssyncset.done $0x0  }
0x3c: {  	s2 =	sadd.s32 s11, s2;
	[sflag:s20] =	ssyncadd.s32 $0xFFFFFF80  }
0x3d: {  	[tilespmem:s22], [sflag:$0x3] =	stream.linear.gather [hbm4b:s2+s4], $0x80, $0x38;
	[tilespmem:$0x1C200] =	vst v63  }
0x3e: {  	_ =	swait.ge [sflag:s20], $0x80  }
0x3f: {  	[sflag:s20] =	ssyncset.done $0x0  }
0x40: {  	[sflag:s20] =	ssyncadd.s32 $0xFFFFFF80  }
0x41: {  	[tilespmem:s24], [sflag:$0x1] =	stream.indirect.gather [hbm4b:s1+s23], $0x80, s21, s23, $0xb8;
	[tilespmem:$0x1C200] =	vst v63  }
0x42: {  	s0 =	sadd.s32 $0x51, s10;
	_ =	swait.ge [sflag:s30], $0x4000  }
0x43: {  	p1 =	slt.s32 s0, s13;
	s2 =	smov.u32 s13;
	[sflag:s30] =	ssyncset.done $0x0  }
0x44: {  	s2 =	smov.u32 @p1 s0;
	[sflag:s30] =	ssyncadd.s32 $0xFFFFC000  }
0x45: {  	[spmem:s3] =	stream.indirect.scatter.add.f32 [tilespmem:s28], [sflag:$0x3], $0x80, s26, s23, $0xb8;
	[tilespmem:$0x1C200] =	vst v63  }
0x46: {  	s0 =	sshll.u32 s2, $0x4;
	_ =	swait.ge [sflag:s20], $0x4000  }
0x47: {  	s0 =	sand.u32 $0xFFFFFF0, s0;
	[sflag:s20] =	ssyncset.done $0x0  }
0x48: {  	s10 =	sadd.s32 s5, s0;
	[sflag:s20] =	ssyncadd.s32 $0xFFFFC000  }
0x49: {  	[tilespmem:s25], [sflag:$0x3] =	stream.linear.gather [hbm4b:s10+s4], $0x80, $0x38;
	[tilespmem:$0x1C200] =	vst v63  }
0x4a: {  	_ =	swait.ge [sflag:s20], $0x80  }
0x4b: {  	[sflag:s20] =	ssyncset.done $0x0  }
0x4c: {  	s0 =	sadd.s32 s11, s0;
	[sflag:s20] =	ssyncadd.s32 $0xFFFFFF80  }
0x4d: {  	[tilespmem:s26], [sflag:$0x3] =	stream.linear.gather [hbm4b:s0+s4], $0x80, $0x38;
	[tilespmem:$0x1C200] =	vst v63  }
0x4e: {  	_ =	swait.ge [sflag:s20], $0x80  }
0x4f: {  	s0 =	simm.s32 $0xFFFFFFB4;
	[sflag:s20] =	ssyncset.done $0x0  }
.LBB2_2:
0x50: {  	s6 =	sadd.s32 s0, s18  }
0x51: {  	[sflag:s20] =	ssyncadd.s32 $0xFFFFFF80;
	s2 =	smov.u32 s0;
	s9 =	smov.u32 s13  }
0x52: {  	s2 =	sadd.s32 $0x2, s0;
	s10 =	sadd.s32 $0x51, s6;
	s6 =	sadd.s32 $0x50, s6  }
0x53: {  	[tilespmem:s28], [sflag:$0x2] =	stream.indirect.gather [hbm4b:s1+s23], $0x80, s25, s23, $0xb8;
	[tilespmem:$0x1C200] =	vst v63  }
0x54: {  	p1 =	slt.s32 s10, s13;
	p2 =	slt.s32 s6, s13;
	_ =	swait.ge [sflag:s29], $0x4000  }
0x55: {  	s9 =	smov.u32 @p1 s10;
	s10 =	smov.u32 s13;
	[sflag:s29] =	ssyncset.done $0x0  }
0x56: {  	s10 =	smov.u32 @p2 s6;
	[sflag:s29] =	ssyncadd.s32 $0xFFFFC000  }
0x57: {  	[spmem:s3] =	stream.indirect.scatter.add.f32 [tilespmem:s24], [sflag:$0x3], $0x80, s22, s23, $0xb8;
	[tilespmem:$0x1C200] =	vst v63  }
0x58: {  	s9 =	sshll.u32 s9, $0x4;
	s6 =	sshll.u32 s10, $0x4;
	_ =	swait.ge [sflag:s20], $0x4000  }
0x59: {  	s9 =	sand.u32 $0xFFFFFF0, s9;
	s6 =	sand.u32 $0xFFFFFF0, s6;
	[sflag:s20] =	ssyncset.done $0x0  }
0x5a: {  	p1 =	sne.s32 s0, $0xFFFFFFFE;
	s10 =	sadd.s32 s5, s6;
	[sflag:s20] =	ssyncadd.s32 $0xFFFFC000  }
0x5b: {  	[tilespmem:s21], [sflag:$0x3] =	stream.linear.gather [hbm4b:s10+s4], $0x80, $0x38;
	[tilespmem:$0x1C200] =	vst v63  }
0x5c: {  	_ =	swait.ge [sflag:s20], $0x80  }
0x5d: {  	s0 =	sadd.s32 s11, s6;
	[sflag:s20] =	ssyncset.done $0x0  }
0x5e: {  	[sflag:s20] =	ssyncadd.s32 $0xFFFFFF80  }
0x5f: {  	[tilespmem:s22], [sflag:$0x3] =	stream.linear.gather [hbm4b:s0+s4], $0x80, $0x38;
	[tilespmem:$0x1C200] =	vst v63  }
0x60: {  	_ =	swait.ge [sflag:s20], $0x80  }
0x61: {  	[sflag:s20] =	ssyncset.done $0x0  }
0x62: {  	[sflag:s20] =	ssyncadd.s32 $0xFFFFFF80  }
0x63: {  	[tilespmem:s24], [sflag:$0x1] =	stream.indirect.gather [hbm4b:s1+s23], $0x80, s21, s23, $0xb8;
	[tilespmem:$0x1C200] =	vst v63  }
0x64: {  	_ =	swait.ge [sflag:s30], $0x4000  }
0x65: {  	[sflag:s30] =	ssyncset.done $0x0  }
0x66: {  	[sflag:s30] =	ssyncadd.s32 $0xFFFFC000  }
0x67: {  	[spmem:s3] =	stream.indirect.scatter.add.f32 [tilespmem:s28], [sflag:$0x3], $0x80, s26, s23, $0xb8;
	[tilespmem:$0x1C200] =	vst v63  }
0x68: {  	_ =	swait.ge [sflag:s20], $0x4000  }
0x69: {  	s0 =	sadd.s32 s5, s9;
	[sflag:s20] =	ssyncset.done $0x0  }
0x6a: {  	[sflag:s20] =	ssyncadd.s32 $0xFFFFC000  }
0x6b: {  	[tilespmem:s25], [sflag:$0x3] =	stream.linear.gather [hbm4b:s0+s4], $0x80, $0x38;
	[tilespmem:$0x1C200] =	vst v63  }
0x6c: {  	_ =	swait.ge [sflag:s20], $0x80  }
.Ltmp0:
0x6d: {  	s0 =	sadd.s32 s11, s9;
	[sflag:s20] =	ssyncset.done $0x0;
	(pc) =	sbr.rel @p1 .LBB2_2-.Ltmp0, $4  }
0x6e: {  	[sflag:s20] =	ssyncadd.s32 $0xFFFFFF80  }
0x6f: {  	[tilespmem:s26], [sflag:$0x3] =	stream.linear.gather [hbm4b:s0+s4], $0x80, $0x38;
	[tilespmem:$0x1C200] =	vst v63  }
0x70: {  	_ =	swait.ge [sflag:s20], $0x80  }
0x71: {  	s0 =	smov.u32 s2;
	[sflag:s20] =	ssyncset.done $0x0  }
0x72: {  	[sflag:s20] =	ssyncadd.s32 $0xFFFFFF80  }
0x73: {  	[tilespmem:s28], [sflag:$0x2] =	stream.indirect.gather [hbm4b:s1+s23], $0x80, s25, s23, $0xb8;
	[tilespmem:$0x1C200] =	vst v63  }
0x74: {  	_ =	swait.ge [sflag:s29], $0x4000  }
0x75: {  	[sflag:s29] =	ssyncset.done $0x0  }
0x76: {  	[sflag:s29] =	ssyncadd.s32 $0xFFFFC000  }
0x77: {  	_ =	swait.ge [sflag:s30], $0x4000  }
0x78: {  	s0 =	simm.s32 @!p0 $0x0;
	[sflag:s30] =	ssyncset.done $0x0  }
0x79: {  	s2 =	simm.s32 @!p0 $0x14000;
	s6 =	simm.s32 @!p0 $0x3;
	[sflag:s30] =	ssyncadd.s32 $0xFFFFC000  }
0x7a: {  	[tilespmem:s2], [sflag:$0x3] =	stream.linear.gather @!p0 [hbm4b:s15+s0], $0x80, $0x38;
	[tilespmem:$0x1C200] =	vst v63  }
0x7b: {  	_ =	swait.ge @!p0 [sflag:s6], $0x80  }
0x7c: {  	[sflag:s6] =	ssyncset.done @!p0 $0x0  }
0x7d: {  	s9 =	sadd.s32 @!p0 s14, s11;
	s10 =	simm.s32 @!p0 $0x14100;
	[sflag:s6] =	ssyncadd.s32 @!p0 $0xFFFFFF80  }
0x7e: {  	[tilespmem:s10], [sflag:$0x3] =	stream.linear.gather @!p0 [hbm4b:s9+s0], $0x80, $0x38;
	[tilespmem:$0x1C200] =	vst v63  }
0x7f: {  	_ =	swait.ge @!p0 [sflag:s6], $0x80  }
0x80: {  	[sflag:s6] =	ssyncset.done @!p0 $0x0  }
0x81: {  	s0 =	simm.s32 @!p0 $0x80;
	s9 =	simm.s32 @!p0 $0x14200;
	[sflag:s6] =	ssyncadd.s32 @!p0 $0xFFFFFF80  }
0x82: {  	[tilespmem:s9], [sflag:$0x1] =	stream.indirect.gather @!p0 [hbm4b:s1+s0], $0x80, s2, s0, $0xb8;
	[tilespmem:$0x1C200] =	vst v63  }
0x83: {  	s2 =	simm.s32 @!p0 $0x1  }
0x84: {  	_ =	swait.ge @!p0 [sflag:s2], $0x4000  }
0x85: {  	[sflag:s2] =	ssyncset.done @!p0 $0x0  }
0x86: {  	[sflag:s2] =	ssyncadd.s32 @!p0 $0xFFFFC000  }
0x87: {  	[spmem:s3] =	stream.indirect.scatter.add.f32 @!p0 [tilespmem:s9], [sflag:$0x3], $0x80, s10, s0, $0xb8;
	[tilespmem:$0x1C200] =	vst v63  }
0x88: {  	_ =	swait.ge @!p0 [sflag:s6], $0x4000  }
0x89: {  	s31 =	sadd.s32 $0x1, s31;
	[sflag:s6] =	ssyncset.done @!p0 $0x0  }
0x8a: {  	p1 =	sne.s32 s31, s17;
	[sflag:s6] =	ssyncadd.s32 @!p0 $0xFFFFC000  }
.Ltmp1:
0x8b: {  	[bflag:$0x0] =	sbarrier.arrive $0xFFFF;
	(pc) =	sbr.rel @p1 .LBB2_1-.Ltmp1, $4  }
0x8c: {  	[hbm:s16], [sflag:s7] =	dma.local [spmem:s19], $0x2800  }
0x8d: {  	_ =	swait.ge [sflag:s20], $0x2800  }
0x8e: {  	[sflag:s20] =	ssyncset.done $0x0  }
0x8f: {  	[sflag:s20] =	ssyncadd.s32 $0xFFFFD800  }
0x90: {  	_ =	sfence.sel $0x180000  }
0x91: {  	[bflag:$0x0] =	sbarrier.arrive $0xFFFF  }
0x92: {  	_ =	strace $0x90000047  }
0x93: {  	s0 =	stileid.u32;
	[bflag:$0x2] =	sbarrier.arrive $0xFFFF  }
0x94: {  	p0 =	sne.s32 s0, $0x0;
	s0 =	rddreg [dreg:$0x3]  }
0x95: {  	s0 =	sadd.s32 @!p0 $0x100000, s0  }
0x96: {  	[sflag:s0] =	ssyncadd.tile.s32 @!p0 $0x1;
	_ =	shalt  }
.Lfunc_end2:
_tile_overlayer_lowered:
.L_overlay_start_2:
0x97: {  	(tag) =	ssettag $0x2  }
0x98: {  	s0 =	rddreg [dreg:$0x0];
	s2 =	stileid.u32  }
0x99: {  	s1 =	rddreg [dreg:$0x1];
	p0 =	sne.s32 s2, $0x0  }
0x9a: {  	s3 =	rddreg [dreg:$0x2];
	[bflag:$0x3] =	sbarrier.arrive $0xFFFF;
	s2 =	simm.s32 @!p0 $0x1C03  }
0x9b: {  	[timem:s3], [sflag:s2] =	dma.local @!p0 [hbm:s0], s1  }
0x9c: {  	s0 =	simm.s32 @!p0 $0x3  }
0x9d: {  	_ =	swait.ge @!p0 [sflag:s0], s1  }
0x9e: {  	s1 =	ssub.s32 @!p0 $0x0, s1;
	[sflag:s0] =	ssyncset.done @!p0 $0x0  }
0x9f: {  	[sflag:s0] =	ssyncadd.s32 @!p0 s1  }
0xa0: {  	[bflag:$0x3] =	sbarrier.arrive $0xFFFF  }
0xa1: {  	_ =	shalt  }

</sc_bundles>
